<compile_context>
chip_gen: v7x
topology: tpu7x:2x2x1
jax: 0.10.2.dev20260603
libtpu: 0.0.44.dev20260713+nightly
codegen_flags: <defaults>
</compile_context>

<pallas_src>
import functools

import jax
import jax.numpy as jnp
from jax import lax
from jax.experimental import pallas as pl
from jax.experimental.pallas import tpu as pltpu
from jax.experimental.pallas import tpu_sc as plsc

NUM_CLASSES = 40
OUT_CHANNELS = 512
N = 100000

NUM_WORKERS = 32
CHUNK = 80
NUM_CHUNKS = N // CHUNK
MAX_T = (NUM_CHUNKS + NUM_WORKERS - 1) // NUM_WORKERS
SPAN = MAX_T * CHUNK
N_PAD = (NUM_CHUNKS - 1) * CHUNK + SPAN
LANES = 16
TABLE_ROWS = 48


@functools.partial(
    pl.kernel,
    mesh=plsc.VectorSubcoreMesh(core_axis_name="c", subcore_axis_name="s"),
    out_type=jax.ShapeDtypeStruct((N, OUT_CHANNELS), jnp.float32),
    scratch_types=[
        pltpu.VMEM((TABLE_ROWS, OUT_CHANNELS), jnp.float32),
        pltpu.VMEM((SPAN,), jnp.int32),
        pltpu.VMEM((SPAN,), jnp.int32),
        pltpu.VMEM((SPAN,), jnp.int32),
        pltpu.VMEM((CHUNK, OUT_CHANNELS), jnp.float32),
        pltpu.SemaphoreType.DMA,
        pltpu.SemaphoreType.DMA,
        pltpu.SemaphoreType.DMA,
    ],
)
def _masked_gather(y_hbm, m_hbm, emb_hbm, out_hbm,
                   table_v, y_v, m_v, idx_v, dummy_v, sem0, sem1, tsem):
    w = lax.axis_index("s") * 2 + lax.axis_index("c")
    nt = jnp.where(w < 2, MAX_T, MAX_T - 1)
    start_chunk = (MAX_T - 1) * w + jnp.minimum(w, 2)
    base = start_chunk * CHUNK

    table_copy = pltpu.make_async_copy(emb_hbm.at[w], table_v, tsem)
    table_copy.start()
    y_copy = pltpu.make_async_copy(y_hbm.at[pl.ds(base, SPAN)], y_v, sem0)
    m_copy = pltpu.make_async_copy(m_hbm.at[pl.ds(base, SPAN)], m_v, sem1)
    y_copy.start()
    m_copy.start()
    y_copy.wait()
    m_copy.wait()

    def sel_body(i, carry):
        sl = pl.ds(i * LANES, LANES)
        idx_v[sl] = jnp.where(m_v[sl] != 0, y_v[sl], NUM_CLASSES)
        return carry
    lax.fori_loop(0, SPAN // LANES, sel_body, 0)
    table_copy.wait()

    sems = (sem0, sem1)

    def issue_chunk(t, b):
        def group_body(g, carry):
            row0 = t * CHUNK + g * LANES
            idxv = idx_v[pl.ds(row0, LANES)]
            for r in range(LANES):
                pltpu.make_async_copy(
                    table_v.at[idxv[r]],
                    out_hbm.at[base + row0 + r],
                    sems[b]).start()
            return carry
        lax.fori_loop(0, CHUNK // LANES, group_body, 0)

    def drain_desc(t, b):
        return pltpu.make_async_copy(
            out_hbm.at[pl.ds(base + t * CHUNK, CHUNK)], dummy_v, sems[b])

    def pair_body(j, carry):
        for h in range(2):
            t = 2 * j + h
            @pl.when(jnp.logical_and(t >= 2, t - 2 < nt))
            def _(t=t, b=h):
                drain_desc(t - 2, b).wait()
            @pl.when(t < nt)
            def _(t=t, b=h):
                issue_chunk(t, b)
        return carry
    lax.fori_loop(0, MAX_T // 2 + 1, pair_body, 0)


def kernel(y, mask, emb):
    y32 = jnp.pad(y.astype(jnp.int32), (0, N_PAD - N))
    m32 = jnp.pad(mask.astype(jnp.int32), (0, N_PAD - N))
    emb2 = jnp.concatenate(
        [emb, jnp.zeros((TABLE_ROWS - NUM_CLASSES, OUT_CHANNELS), emb.dtype)],
        axis=0)
    emb_rep = jnp.broadcast_to(emb2[None], (NUM_WORKERS,) + emb2.shape)
    return _masked_gather(y32, m32, emb_rep)

# --- scband reference (transcript-rebuilt; emitter-appended) ---
"""Pipeline reference for scband-mask-label-30726196035830 (READ-ONLY COPY).

The authoritative reference and input builder live on the scoring server;
editing this copy changes nothing except your own understanding.
"""

import jax, jax.numpy as jnp
import numpy as np

NUM_CLASSES = 40
OUT_CHANNELS = 512
N = 100000

def setup_inputs(seed: int = 0) -> dict:
    key = jax.random.key(seed)
    k1, k2, k3 = jax.random.split(key, 3)
    y = jax.random.randint(k1, (N,), 0, NUM_CLASSES, dtype=jnp.int64 if jax.config.jax_enable_x64 else jnp.int32)
    mask = jax.random.randint(k2, (N,), 0, 2, dtype=jnp.int32).astype(jnp.bool_)
    emb = jax.random.normal(k3, (NUM_CLASSES, OUT_CHANNELS), dtype=jnp.float32)
    return {"y": y, "mask": mask, "emb": emb}

def reference(y, mask, emb):
    # out = zeros(N, out_channels); out[mask] = emb[y[mask]]
    gathered = jnp.take(emb, y, axis=0)  # gather embedding rows for all labels
    out = jnp.where(mask[:, None], gathered, jnp.zeros_like(gathered))
    return out

if __name__ == "__main__":
    import jax
    _d = setup_inputs()
    print(jax.jit(kernel)(*tuple(_d.values())))

</pallas_src>

<mosaic_0001>
#map = affine_map<(d0, d1) -> (0)>
#map1 = affine_map<(d0, d1) -> (0, 0, 0)>
#map2 = affine_map<(d0, d1) -> (0, 0)>
module attributes {stable_mosaic.version = 14 : i64} {
  func.func @_masked_gather(%arg0: i32, %arg1: i32, %arg2: memref<103120xi32, #tpu.memory_space<hbm>>, %arg3: memref<103120xi32, #tpu.memory_space<hbm>>, %arg4: memref<32x48x512xf32, #tpu.memory_space<hbm>>, %arg5: memref<100000x512xf32, #tpu.memory_space<hbm>>, %arg6: memref<48x512xf32, #tpu.memory_space<vmem>>, %arg7: memref<3200xi32, #tpu.memory_space<vmem>>, %arg8: memref<3200xi32, #tpu.memory_space<vmem>>, %arg9: memref<3200xi32, #tpu.memory_space<vmem>>, %arg10: memref<80x512xf32, #tpu.memory_space<vmem>>, %arg11: memref<!tpu.dma_semaphore, #tpu.memory_space<semaphore_mem>>, %arg12: memref<!tpu.dma_semaphore, #tpu.memory_space<semaphore_mem>>, %arg13: memref<!tpu.dma_semaphore, #tpu.memory_space<semaphore_mem>>) attributes {dimension_semantics = [#tpu.dimension_semantics<core_parallel>, #tpu.dimension_semantics<subcore_parallel>], iteration_bounds = array<i64: 2, 16>, scalar_prefetch = 0 : i64, scratch_operands = 8 : i64, tpu.core_type = #tpu.core_type<sc_vector_subcore>, window_params = [{transform_indices = #map}, {transform_indices = #map}, {transform_indices = #map1}, {transform_indices = #map2}]} {
    %mul3A = arith.constant 2 : i32
    %mul3A_0 = arith.muli %arg1, %mul3A : i32
    %add3A = arith.addi %mul3A_0, %arg0 : i32
    %lt3A = arith.constant 2 : i32
    %lt3A_1 = arith.cmpi slt, %add3A, %lt3A : i32
    %jit3A = arith.constant 40 : i32
    %jit3A_2 = arith.constant 39 : i32
    %select_n3A = arith.select %lt3A_1, %jit3A, %jit3A_2 : i32
    %mul3A_3 = arith.constant 39 : i32
    %mul3A_4 = arith.muli %mul3A_3, %add3A : i32
    %min3A = arith.constant 2 : i32
    %min3A_5 = arith.minsi %add3A, %min3A : i32
    %add3A_6 = arith.addi %mul3A_4, %min3A_5 : i32
    %mul3A_7 = arith.constant 80 : i32
    %mul3A_8 = arith.muli %add3A_6, %mul3A_7 : i32
    %dma_start3A = arith.constant 0 : i32
    %dma_start3A_9 = arith.constant 0 : i32
    %dma_start3A_10 = tpu.memref_slice %arg4[%add3A, %dma_start3A, %dma_start3A_9] : memref<32x48x512xf32, #tpu.memory_space<hbm>> -> memref<1x48x512xf32, #tpu.memory_space<hbm>>
    %dma_start3A_11 = tpu.memref_squeeze %dma_start3A_10 : memref<1x48x512xf32, #tpu.memory_space<hbm>> -> memref<48x512xf32, #tpu.memory_space<hbm>>
    %dma_start3A_12 = arith.constant 0 : i32
    %dma_start3A_13 = arith.constant 0 : i32
    %dma_start3A_14 = tpu.memref_slice %arg4[%add3A, %dma_start3A_12, %dma_start3A_13] : memref<32x48x512xf32, #tpu.memory_space<hbm>> -> memref<1x48x512xf32, #tpu.memory_space<hbm>>
    %dma_start3A_15 = tpu.memref_squeeze %dma_start3A_14 : memref<1x48x512xf32, #tpu.memory_space<hbm>> -> memref<48x512xf32, #tpu.memory_space<hbm>>
    tpu.enqueue_dma source(%dma_start3A_15 : memref<48x512xf32, #tpu.memory_space<hbm>>) target(%arg6 : memref<48x512xf32, #tpu.memory_space<vmem>>) target_semaphore(%arg13 : memref<!tpu.dma_semaphore, #tpu.memory_space<semaphore_mem>>)
    %dma_start3A_16 = tpu.memref_slice %arg2[%mul3A_8] : memref<103120xi32, #tpu.memory_space<hbm>> -> memref<3200xi32, #tpu.memory_space<hbm>>
    %dma_start3A_17 = tpu.memref_slice %arg2[%mul3A_8] : memref<103120xi32, #tpu.memory_space<hbm>> -> memref<3200xi32, #tpu.memory_space<hbm>>
    tpu.enqueue_dma source(%dma_start3A_17 : memref<3200xi32, #tpu.memory_space<hbm>>) target(%arg7 : memref<3200xi32, #tpu.memory_space<vmem>>) target_semaphore(%arg11 : memref<!tpu.dma_semaphore, #tpu.memory_space<semaphore_mem>>)
    %dma_start3A_18 = tpu.memref_slice %arg3[%mul3A_8] : memref<103120xi32, #tpu.memory_space<hbm>> -> memref<3200xi32, #tpu.memory_space<hbm>>
    %dma_start3A_19 = tpu.memref_slice %arg3[%mul3A_8] : memref<103120xi32, #tpu.memory_space<hbm>> -> memref<3200xi32, #tpu.memory_space<hbm>>
    tpu.enqueue_dma source(%dma_start3A_19 : memref<3200xi32, #tpu.memory_space<hbm>>) target(%arg8 : memref<3200xi32, #tpu.memory_space<vmem>>) target_semaphore(%arg12 : memref<!tpu.dma_semaphore, #tpu.memory_space<semaphore_mem>>)
    %dma_wait3A = tpu.memref_slice %arg2[%mul3A_8] : memref<103120xi32, #tpu.memory_space<hbm>> -> memref<3200xi32, #tpu.memory_space<hbm>>
    %dma_wait3A_20 = tpu.memref_slice %arg2[%mul3A_8] : memref<103120xi32, #tpu.memory_space<hbm>> -> memref<3200xi32, #tpu.memory_space<hbm>>
    tpu.wait_dma2 semaphore(%arg11 : memref<!tpu.dma_semaphore, #tpu.memory_space<semaphore_mem>>) src(%dma_wait3A_20 : memref<3200xi32, #tpu.memory_space<hbm>>) dst(%arg7 : memref<3200xi32, #tpu.memory_space<vmem>>)
    %dma_wait3A_21 = tpu.memref_slice %arg3[%mul3A_8] : memref<103120xi32, #tpu.memory_space<hbm>> -> memref<3200xi32, #tpu.memory_space<hbm>>
    %dma_wait3A_22 = tpu.memref_slice %arg3[%mul3A_8] : memref<103120xi32, #tpu.memory_space<hbm>> -> memref<3200xi32, #tpu.memory_space<hbm>>
    tpu.wait_dma2 semaphore(%arg12 : memref<!tpu.dma_semaphore, #tpu.memory_space<semaphore_mem>>) src(%dma_wait3A_22 : memref<3200xi32, #tpu.memory_space<hbm>>) dst(%arg8 : memref<3200xi32, #tpu.memory_space<vmem>>)
    %scan3A = arith.constant 0 : i32
    %scan3A_23 = arith.constant 0 : i32
    %scan3A_24 = arith.constant 200 : i32
    %scan3A_25 = arith.addi %scan3A_23, %scan3A_24 : i32
    %scan3A_26 = arith.constant 1 : i32
    scf.for %scan3A_42 = %scan3A_23 to %scan3A_25 step %scan3A_26  : i32 {
      %mul3A_43 = arith.constant 16 : i32
      %mul3A_44 = arith.muli %scan3A_42, %mul3A_43 : i32
      %get3A = arith.index_cast %mul3A_44 : i32 to index
      %get3A_45 = tpu.vector_load %arg8[%get3A] {strides = array<i32>} : memref<3200xi32, #tpu.memory_space<vmem>>, vector<16xi32>,
      %get3A_46 = vector.shape_cast %get3A_45 : vector<16xi32> to vector<16xi32>
      %ne3A = arith.constant 0 : i32
      %ne3A_47 = vector.broadcast %ne3A : i32 to vector<16xi32>
      %ne3A_48 = arith.cmpi ne, %get3A_46, %ne3A_47 : vector<16xi32>
      %get3A_49 = arith.index_cast %mul3A_44 : i32 to index
      %get3A_50 = tpu.vector_load %arg7[%get3A_49] {strides = array<i32>} : memref<3200xi32, #tpu.memory_space<vmem>>, vector<16xi32>,
      %get3A_51 = vector.shape_cast %get3A_50 : vector<16xi32> to vector<16xi32>
      %jit3A_52 = arith.constant 40 : i32
      %broadcast_in_dim3A = vector.broadcast %jit3A_52 : i32 to vector<16xi32>
      %select_n3A_53 = arith.select %ne3A_48, %get3A_51, %broadcast_in_dim3A : vector<16xi1>, vector<16xi32>
      %swap3A = arith.index_cast %mul3A_44 : i32 to index
      %swap3A_54 = tpu.vector_load %arg9[%swap3A] {strides = array<i32>} : memref<3200xi32, #tpu.memory_space<vmem>>, vector<16xi32>,
      %swap3A_55 = vector.shape_cast %swap3A_54 : vector<16xi32> to vector<16xi32>
      %swap3A_56 = vector.shape_cast %select_n3A_53 : vector<16xi32> to vector<16xi32>
      tpu.vector_store %arg9[%swap3A], %swap3A_56 {strides = array<i32>} : memref<3200xi32, #tpu.memory_space<vmem>>, vector<16xi32>,
    }
    %scan3A_27 = arith.constant 200 : i32
    %dma_wait3A_28 = arith.constant 0 : i32
    %dma_wait3A_29 = arith.constant 0 : i32
    %dma_wait3A_30 = tpu.memref_slice %arg4[%add3A, %dma_wait3A_28, %dma_wait3A_29] : memref<32x48x512xf32, #tpu.memory_space<hbm>> -> memref<1x48x512xf32, #tpu.memory_space<hbm>>
    %dma_wait3A_31 = tpu.memref_squeeze %dma_wait3A_30 : memref<1x48x512xf32, #tpu.memory_space<hbm>> -> memref<48x512xf32, #tpu.memory_space<hbm>>
    %dma_wait3A_32 = arith.constant 0 : i32
    %dma_wait3A_33 = arith.constant 0 : i32
    %dma_wait3A_34 = tpu.memref_slice %arg4[%add3A, %dma_wait3A_32, %dma_wait3A_33] : memref<32x48x512xf32, #tpu.memory_space<hbm>> -> memref<1x48x512xf32, #tpu.memory_space<hbm>>
    %dma_wait3A_35 = tpu.memref_squeeze %dma_wait3A_34 : memref<1x48x512xf32, #tpu.memory_space<hbm>> -> memref<48x512xf32, #tpu.memory_space<hbm>>
    tpu.wait_dma2 semaphore(%arg13 : memref<!tpu.dma_semaphore, #tpu.memory_space<semaphore_mem>>) src(%dma_wait3A_35 : memref<48x512xf32, #tpu.memory_space<hbm>>) dst(%arg6 : memref<48x512xf32, #tpu.memory_space<vmem>>)
    %scan3A_36 = arith.constant 0 : i32
    %scan3A_37 = arith.constant 0 : i32
    %scan3A_38 = arith.constant 21 : i32
    %scan3A_39 = arith.addi %scan3A_37, %scan3A_38 : i32
    %scan3A_40 = arith.constant 1 : i32
    scf.for %scan3A_42 = %scan3A_37 to %scan3A_39 step %scan3A_40  : i32 {
      %mul3A_43 = arith.constant 2 : i32
      %mul3A_44 = arith.muli %mul3A_43, %scan3A_42 : i32
      %add3A_45 = arith.constant 0 : i32
      %add3A_46 = arith.addi %mul3A_44, %add3A_45 : i32
      %ge3A = arith.constant 2 : i32
      %ge3A_47 = arith.cmpi sge, %add3A_46, %ge3A : i32
      %sub3A = arith.constant 2 : i32
      %sub3A_48 = arith.subi %add3A_46, %sub3A : i32
      %lt3A_49 = arith.cmpi slt, %sub3A_48, %select_n3A : i32
      %and3A = arith.andi %ge3A_47, %lt3A_49 : i1
      %convert_element_type3A = arith.extui %and3A : i1 to i32
      %cond3A = arith.constant 0 : i32
      %cond3A_50 = arith.cmpi ne, %convert_element_type3A, %cond3A : i32
      scf.if %cond3A_50 {
        %sub3A_72 = arith.constant 2 : i32
        %sub3A_73 = arith.subi %add3A_46, %sub3A_72 : i32
        %mul3A_74 = arith.constant 80 : i32
        %mul3A_75 = arith.muli %sub3A_73, %mul3A_74 : i32
        %add3A_76 = arith.addi %mul3A_8, %mul3A_75 : i32
        %dma_wait3A_77 = arith.constant 0 : i32
        %dma_wait3A_78 = tpu.memref_slice %arg5[%add3A_76, %dma_wait3A_77] : memref<100000x512xf32, #tpu.memory_space<hbm>> -> memref<80x512xf32, #tpu.memory_space<hbm>>
        %dma_wait3A_79 = arith.constant 0 : i32
        %dma_wait3A_80 = tpu.memref_slice %arg5[%add3A_76, %dma_wait3A_79] : memref<100000x512xf32, #tpu.memory_space<hbm>> -> memref<80x512xf32, #tpu.memory_space<hbm>>
        tpu.wait_dma2 semaphore(%arg11 : memref<!tpu.dma_semaphore, #tpu.memory_space<semaphore_mem>>) src(%dma_wait3A_80 : memref<80x512xf32, #tpu.memory_space<hbm>>) dst(%arg10 : memref<80x512xf32, #tpu.memory_space<vmem>>)
      } else {
      }
      %lt3A_51 = arith.cmpi slt, %add3A_46, %select_n3A : i32
      %convert_element_type3A_52 = arith.extui %lt3A_51 : i1 to i32
      %cond3A_53 = arith.constant 0 : i32
      %cond3A_54 = arith.cmpi ne, %convert_element_type3A_52, %cond3A_53 : i32
      scf.if %cond3A_54 {
        %scan3A_72 = arith.constant 0 : i32
        %scan3A_73 = arith.constant 0 : i32
        %scan3A_74 = arith.constant 5 : i32
        %scan3A_75 = arith.addi %scan3A_73, %scan3A_74 : i32
        %scan3A_76 = arith.constant 1 : i32
        scf.for %scan3A_78 = %scan3A_73 to %scan3A_75 step %scan3A_76  : i32 {
          %mul3A_79 = arith.constant 80 : i32
          %mul3A_80 = arith.muli %add3A_46, %mul3A_79 : i32
          %mul3A_81 = arith.constant 16 : i32
          %mul3A_82 = arith.muli %scan3A_78, %mul3A_81 : i32
          %add3A_83 = arith.addi %mul3A_80, %mul3A_82 : i32
          %get3A = arith.index_cast %add3A_83 : i32 to index
          %get3A_84 = tpu.vector_load %arg9[%get3A] {strides = array<i32>} : memref<3200xi32, #tpu.memory_space<vmem>>, vector<16xi32>,
          %get3A_85 = vector.shape_cast %get3A_84 : vector<16xi32> to vector<16xi32>
          %slice3A = vector.extract_strided_slice %get3A_85 {offsets = [0], sizes = [1], strides = [1]} : vector<16xi32> to vector<1xi32>
          %squeeze3A = vector.extract %slice3A[0] : i32 from vector<1xi32>
          %add3A_86 = arith.addi %mul3A_8, %add3A_83 : i32
          %add3A_87 = arith.constant 0 : i32
          %add3A_88 = arith.addi %add3A_86, %add3A_87 : i32
          %dma_start3A_89 = arith.constant 0 : i32
          %dma_start3A_90 = tpu.memref_slice %arg6[%squeeze3A, %dma_start3A_89] : memref<48x512xf32, #tpu.memory_space<vmem>> -> memref<1x512xf32, #tpu.memory_space<vmem>>
          %dma_start3A_91 = tpu.memref_squeeze %dma_start3A_90 : memref<1x512xf32, #tpu.memory_space<vmem>> -> memref<512xf32, #tpu.memory_space<vmem>>
          %dma_start3A_92 = arith.constant 0 : i32
          %dma_start3A_93 = tpu.memref_slice %arg5[%add3A_88, %dma_start3A_92] : memref<100000x512xf32, #tpu.memory_space<hbm>> -> memref<1x512xf32, #tpu.memory_space<hbm>>
          %dma_start3A_94 = tpu.memref_squeeze %dma_start3A_93 : memref<1x512xf32, #tpu.memory_space<hbm>> -> memref<512xf32, #tpu.memory_space<hbm>>
          %dma_start3A_95 = arith.constant 0 : i32
          %dma_start3A_96 = tpu.memref_slice %arg5[%add3A_88, %dma_start3A_95] : memref<100000x512xf32, #tpu.memory_space<hbm>> -> memref<1x512xf32, #tpu.memory_space<hbm>>
          %dma_start3A_97 = tpu.memref_squeeze %dma_start3A_96 : memref<1x512xf32, #tpu.memory_space<hbm>> -> memref<512xf32, #tpu.memory_space<hbm>>
          %dma_start3A_98 = arith.constant 0 : i32
          %dma_start3A_99 = tpu.memref_slice %arg6[%squeeze3A, %dma_start3A_98] : memref<48x512xf32, #tpu.memory_space<vmem>> -> memref<1x512xf32, #tpu.memory_space<vmem>>
          %dma_start3A_100 = tpu.memref_squeeze %dma_start3A_99 : memref<1x512xf32, #tpu.memory_space<vmem>> -> memref<512xf32, #tpu.memory_space<vmem>>
          tpu.enqueue_dma source(%dma_start3A_100 : memref<512xf32, #tpu.memory_space<vmem>>) target(%dma_start3A_97 : memref<512xf32, #tpu.memory_space<hbm>>) target_semaphore(%arg11 : memref<!tpu.dma_semaphore, #tpu.memory_space<semaphore_mem>>)
          %slice3A_101 = vector.extract_strided_slice %get3A_85 {offsets = [1], sizes = [1], strides = [1]} : vector<16xi32> to vector<1xi32>
          %squeeze3A_102 = vector.extract %slice3A_101[0] : i32 from vector<1xi32>
          %add3A_103 = arith.addi %mul3A_8, %add3A_83 : i32
          %add3A_104 = arith.constant 1 : i32
          %add3A_105 = arith.addi %add3A_103, %add3A_104 : i32
          %dma_start3A_106 = arith.constant 0 : i32
          %dma_start3A_107 = tpu.memref_slice %arg6[%squeeze3A_102, %dma_start3A_106] : memref<48x512xf32, #tpu.memory_space<vmem>> -> memref<1x512xf32, #tpu.memory_space<vmem>>
          %dma_start3A_108 = tpu.memref_squeeze %dma_start3A_107 : memref<1x512xf32, #tpu.memory_space<vmem>> -> memref<512xf32, #tpu.memory_space<vmem>>
          %dma_start3A_109 = arith.constant 0 : i32
          %dma_start3A_110 = tpu.memref_slice %arg5[%add3A_105, %dma_start3A_109] : memref<100000x512xf32, #tpu.memory_space<hbm>> -> memref<1x512xf32, #tpu.memory_space<hbm>>
          %dma_start3A_111 = tpu.memref_squeeze %dma_start3A_110 : memref<1x512xf32, #tpu.memory_space<hbm>> -> memref<512xf32, #tpu.memory_space<hbm>>
          %dma_start3A_112 = arith.constant 0 : i32
          %dma_start3A_113 = tpu.memref_slice %arg5[%add3A_105, %dma_start3A_112] : memref<100000x512xf32, #tpu.memory_space<hbm>> -> memref<1x512xf32, #tpu.memory_space<hbm>>
          %dma_start3A_114 = tpu.memref_squeeze %dma_start3A_113 : memref<1x512xf32, #tpu.memory_space<hbm>> -> memref<512xf32, #tpu.memory_space<hbm>>
          %dma_start3A_115 = arith.constant 0 : i32
          %dma_start3A_116 = tpu.memref_slice %arg6[%squeeze3A_102, %dma_start3A_115] : memref<48x512xf32, #tpu.memory_space<vmem>> -> memref<1x512xf32, #tpu.memory_space<vmem>>
          %dma_start3A_117 = tpu.memref_squeeze %dma_start3A_116 : memref<1x512xf32, #tpu.memory_space<vmem>> -> memref<512xf32, #tpu.memory_space<vmem>>
          tpu.enqueue_dma source(%dma_start3A_117 : memref<512xf32, #tpu.memory_space<vmem>>) target(%dma_start3A_114 : memref<512xf32, #tpu.memory_space<hbm>>) target_semaphore(%arg11 : memref<!tpu.dma_semaphore, #tpu.memory_space<semaphore_mem>>)
          %slice3A_118 = vector.extract_strided_slice %get3A_85 {offsets = [2], sizes = [1], strides = [1]} : vector<16xi32> to vector<1xi32>
          %squeeze3A_119 = vector.extract %slice3A_118[0] : i32 from vector<1xi32>
          %add3A_120 = arith.addi %mul3A_8, %add3A_83 : i32
          %add3A_121 = arith.constant 2 : i32
          %add3A_122 = arith.addi %add3A_120, %add3A_121 : i32
          %dma_start3A_123 = arith.constant 0 : i32
          %dma_start3A_124 = tpu.memref_slice %arg6[%squeeze3A_119, %dma_start3A_123] : memref<48x512xf32, #tpu.memory_space<vmem>> -> memref<1x512xf32, #tpu.memory_space<vmem>>
          %dma_start3A_125 = tpu.memref_squeeze %dma_start3A_124 : memref<1x512xf32, #tpu.memory_space<vmem>> -> memref<512xf32, #tpu.memory_space<vmem>>
          %dma_start3A_126 = arith.constant 0 : i32
          %dma_start3A_127 = tpu.memref_slice %arg5[%add3A_122, %dma_start3A_126] : memref<100000x512xf32, #tpu.memory_space<hbm>> -> memref<1x512xf32, #tpu.memory_space<hbm>>
          %dma_start3A_128 = tpu.memref_squeeze %dma_start3A_127 : memref<1x512xf32, #tpu.memory_space<hbm>> -> memref<512xf32, #tpu.memory_space<hbm>>
          %dma_start3A_129 = arith.constant 0 : i32
          %dma_start3A_130 = tpu.memref_slice %arg5[%add3A_122, %dma_start3A_129] : memref<100000x512xf32, #tpu.memory_space<hbm>> -> memref<1x512xf32, #tpu.memory_space<hbm>>
          %dma_start3A_131 = tpu.memref_squeeze %dma_start3A_130 : memref<1x512xf32, #tpu.memory_space<hbm>> -> memref<512xf32, #tpu.memory_space<hbm>>
          %dma_start3A_132 = arith.constant 0 : i32
          %dma_start3A_133 = tpu.memref_slice %arg6[%squeeze3A_119, %dma_start3A_132] : memref<48x512xf32, #tpu.memory_space<vmem>> -> memref<1x512xf32, #tpu.memory_space<vmem>>
          %dma_start3A_134 = tpu.memref_squeeze %dma_start3A_133 : memref<1x512xf32, #tpu.memory_space<vmem>> -> memref<512xf32, #tpu.memory_space<vmem>>
          tpu.enqueue_dma source(%dma_start3A_134 : memref<512xf32, #tpu.memory_space<vmem>>) target(%dma_start3A_131 : memref<512xf32, #tpu.memory_space<hbm>>) target_semaphore(%arg11 : memref<!tpu.dma_semaphore, #tpu.memory_space<semaphore_mem>>)
          %slice3A_135 = vector.extract_strided_slice %get3A_85 {offsets = [3], sizes = [1], strides = [1]} : vector<16xi32> to vector<1xi32>
          %squeeze3A_136 = vector.extract %slice3A_135[0] : i32 from vector<1xi32>
          %add3A_137 = arith.addi %mul3A_8, %add3A_83 : i32
          %add3A_138 = arith.constant 3 : i32
          %add3A_139 = arith.addi %add3A_137, %add3A_138 : i32
          %dma_start3A_140 = arith.constant 0 : i32
          %dma_start3A_141 = tpu.memref_slice %arg6[%squeeze3A_136, %dma_start3A_140] : memref<48x512xf32, #tpu.memory_space<vmem>> -> memref<1x512xf32, #tpu.memory_space<vmem>>
          %dma_start3A_142 = tpu.memref_squeeze %dma_start3A_141 : memref<1x512xf32, #tpu.memory_space<vmem>> -> memref<512xf32, #tpu.memory_space<vmem>>
          %dma_start3A_143 = arith.constant 0 : i32
          %dma_start3A_144 = tpu.memref_slice %arg5[%add3A_139, %dma_start3A_143] : memref<100000x512xf32, #tpu.memory_space<hbm>> -> memref<1x512xf32, #tpu.memory_space<hbm>>
          %dma_start3A_145 = tpu.memref_squeeze %dma_start3A_144 : memref<1x512xf32, #tpu.memory_space<hbm>> -> memref<512xf32, #tpu.memory_space<hbm>>
          %dma_start3A_146 = arith.constant 0 : i32
          %dma_start3A_147 = tpu.memref_slice %arg5[%add3A_139, %dma_start3A_146] : memref<100000x512xf32, #tpu.memory_space<hbm>> -> memref<1x512xf32, #tpu.memory_space<hbm>>
          %dma_start3A_148 = tpu.memref_squeeze %dma_start3A_147 : memref<1x512xf32, #tpu.memory_space<hbm>> -> memref<512xf32, #tpu.memory_space<hbm>>
          %dma_start3A_149 = arith.constant 0 : i32
          %dma_start3A_150 = tpu.memref_slice %arg6[%squeeze3A_136, %dma_start3A_149] : memref<48x512xf32, #tpu.memory_space<vmem>> -> memref<1x512xf32, #tpu.memory_space<vmem>>
          %dma_start3A_151 = tpu.memref_squeeze %dma_start3A_150 : memref<1x512xf32, #tpu.memory_space<vmem>> -> memref<512xf32, #tpu.memory_space<vmem>>
          tpu.enqueue_dma source(%dma_start3A_151 : memref<512xf32, #tpu.memory_space<vmem>>) target(%dma_start3A_148 : memref<512xf32, #tpu.memory_space<hbm>>) target_semaphore(%arg11 : memref<!tpu.dma_semaphore, #tpu.memory_space<semaphore_mem>>)
          %slice3A_152 = vector.extract_strided_slice %get3A_85 {offsets = [4], sizes = [1], strides = [1]} : vector<16xi32> to vector<1xi32>
          %squeeze3A_153 = vector.extract %slice3A_152[0] : i32 from vector<1xi32>
          %add3A_154 = arith.addi %mul3A_8, %add3A_83 : i32
          %add3A_155 = arith.constant 4 : i32
          %add3A_156 = arith.addi %add3A_154, %add3A_155 : i32
          %dma_start3A_157 = arith.constant 0 : i32
          %dma_start3A_158 = tpu.memref_slice %arg6[%squeeze3A_153, %dma_start3A_157] : memref<48x512xf32, #tpu.memory_space<vmem>> -> memref<1x512xf32, #tpu.memory_space<vmem>>
          %dma_start3A_159 = tpu.memref_squeeze %dma_start3A_158 : memref<1x512xf32, #tpu.memory_space<vmem>> -> memref<512xf32, #tpu.memory_space<vmem>>
          %dma_start3A_160 = arith.constant 0 : i32
          %dma_start3A_161 = tpu.memref_slice %arg5[%add3A_156, %dma_start3A_160] : memref<100000x512xf32, #tpu.memory_space<hbm>> -> memref<1x512xf32, #tpu.memory_space<hbm>>
          %dma_start3A_162 = tpu.memref_squeeze %dma_start3A_161 : memref<1x512xf32, #tpu.memory_space<hbm>> -> memref<512xf32, #tpu.memory_space<hbm>>
          %dma_start3A_163 = arith.constant 0 : i32
          %dma_start3A_164 = tpu.memref_slice %arg5[%add3A_156, %dma_start3A_163] : memref<100000x512xf32, #tpu.memory_space<hbm>> -> memref<1x512xf32, #tpu.memory_space<hbm>>
          %dma_start3A_165 = tpu.memref_squeeze %dma_start3A_164 : memref<1x512xf32, #tpu.memory_space<hbm>> -> memref<512xf32, #tpu.memory_space<hbm>>
          %dma_start3A_166 = arith.constant 0 : i32
          %dma_start3A_167 = tpu.memref_slice %arg6[%squeeze3A_153, %dma_start3A_166] : memref<48x512xf32, #tpu.memory_space<vmem>> -> memref<1x512xf32, #tpu.memory_space<vmem>>
          %dma_start3A_168 = tpu.memref_squeeze %dma_start3A_167 : memref<1x512xf32, #tpu.memory_space<vmem>> -> memref<512xf32, #tpu.memory_space<vmem>>
          tpu.enqueue_dma source(%dma_start3A_168 : memref<512xf32, #tpu.memory_space<vmem>>) target(%dma_start3A_165 : memref<512xf32, #tpu.memory_space<hbm>>) target_semaphore(%arg11 : memref<!tpu.dma_semaphore, #tpu.memory_space<semaphore_mem>>)
          %slice3A_169 = vector.extract_strided_slice %get3A_85 {offsets = [5], sizes = [1], strides = [1]} : vector<16xi32> to vector<1xi32>
          %squeeze3A_170 = vector.extract %slice3A_169[0] : i32 from vector<1xi32>
          %add3A_171 = arith.addi %mul3A_8, %add3A_83 : i32
          %add3A_172 = arith.constant 5 : i32
          %add3A_173 = arith.addi %add3A_171, %add3A_172 : i32
          %dma_start3A_174 = arith.constant 0 : i32
          %dma_start3A_175 = tpu.memref_slice %arg6[%squeeze3A_170, %dma_start3A_174] : memref<48x512xf32, #tpu.memory_space<vmem>> -> memref<1x512xf32, #tpu.memory_space<vmem>>
          %dma_start3A_176 = tpu.memref_squeeze %dma_start3A_175 : memref<1x512xf32, #tpu.memory_space<vmem>> -> memref<512xf32, #tpu.memory_space<vmem>>
          %dma_start3A_177 = arith.constant 0 : i32
          %dma_start3A_178 = tpu.memref_slice %arg5[%add3A_173, %dma_start3A_177] : memref<100000x512xf32, #tpu.memory_space<hbm>> -> memref<1x512xf32, #tpu.memory_space<hbm>>
          %dma_start3A_179 = tpu.memref_squeeze %dma_start3A_178 : memref<1x512xf32, #tpu.memory_space<hbm>> -> memref<512xf32, #tpu.memory_space<hbm>>
          %dma_start3A_180 = arith.constant 0 : i32
          %dma_start3A_181 = tpu.memref_slice %arg5[%add3A_173, %dma_start3A_180] : memref<100000x512xf32, #tpu.memory_space<hbm>> -> memref<1x512xf32, #tpu.memory_space<hbm>>
          %dma_start3A_182 = tpu.memref_squeeze %dma_start3A_181 : memref<1x512xf32, #tpu.memory_space<hbm>> -> memref<512xf32, #tpu.memory_space<hbm>>
          %dma_start3A_183 = arith.constant 0 : i32
          %dma_start3A_184 = tpu.memref_slice %arg6[%squeeze3A_170, %dma_start3A_183] : memref<48x512xf32, #tpu.memory_space<vmem>> -> memref<1x512xf32, #tpu.memory_space<vmem>>
          %dma_start3A_185 = tpu.memref_squeeze %dma_start3A_184 : memref<1x512xf32, #tpu.memory_space<vmem>> -> memref<512xf32, #tpu.memory_space<vmem>>
          tpu.enqueue_dma source(%dma_start3A_185 : memref<512xf32, #tpu.memory_space<vmem>>) target(%dma_start3A_182 : memref<512xf32, #tpu.memory_space<hbm>>) target_semaphore(%arg11 : memref<!tpu.dma_semaphore, #tpu.memory_space<semaphore_mem>>)
          %slice3A_186 = vector.extract_strided_slice %get3A_85 {offsets = [6], sizes = [1], strides = [1]} : vector<16xi32> to vector<1xi32>
          %squeeze3A_187 = vector.extract %slice3A_186[0] : i32 from vector<1xi32>
          %add3A_188 = arith.addi %mul3A_8, %add3A_83 : i32
          %add3A_189 = arith.constant 6 : i32
          %add3A_190 = arith.addi %add3A_188, %add3A_189 : i32
          %dma_start3A_191 = arith.constant 0 : i32
          %dma_start3A_192 = tpu.memref_slice %arg6[%squeeze3A_187, %dma_start3A_191] : memref<48x512xf32, #tpu.memory_space<vmem>> -> memref<1x512xf32, #tpu.memory_space<vmem>>
          %dma_start3A_193 = tpu.memref_squeeze %dma_start3A_192 : memref<1x512xf32, #tpu.memory_space<vmem>> -> memref<512xf32, #tpu.memory_space<vmem>>
          %dma_start3A_194 = arith.constant 0 : i32
          %dma_start3A_195 = tpu.memref_slice %arg5[%add3A_190, %dma_start3A_194] : memref<100000x512xf32, #tpu.memory_space<hbm>> -> memref<1x512xf32, #tpu.memory_space<hbm>>
          %dma_start3A_196 = tpu.memref_squeeze %dma_start3A_195 : memref<1x512xf32, #tpu.memory_space<hbm>> -> memref<512xf32, #tpu.memory_space<hbm>>
          %dma_start3A_197 = arith.constant 0 : i32
          %dma_start3A_198 = tpu.memref_slice %arg5[%add3A_190, %dma_start3A_197] : memref<100000x512xf32, #tpu.memory_space<hbm>> -> memref<1x512xf32, #tpu.memory_space<hbm>>
          %dma_start3A_199 = tpu.memref_squeeze %dma_start3A_198 : memref<1x512xf32, #tpu.memory_space<hbm>> -> memref<512xf32, #tpu.memory_space<hbm>>
          %dma_start3A_200 = arith.constant 0 : i32
          %dma_start3A_201 = tpu.memref_slice %arg6[%squeeze3A_187, %dma_start3A_200] : memref<48x512xf32, #tpu.memory_space<vmem>> -> memref<1x512xf32, #tpu.memory_space<vmem>>
          %dma_start3A_202 = tpu.memref_squeeze %dma_start3A_201 : memref<1x512xf32, #tpu.memory_space<vmem>> -> memref<512xf32, #tpu.memory_space<vmem>>
          tpu.enqueue_dma source(%dma_start3A_202 : memref<512xf32, #tpu.memory_space<vmem>>) target(%dma_start3A_199 : memref<512xf32, #tpu.memory_space<hbm>>) target_semaphore(%arg11 : memref<!tpu.dma_semaphore, #tpu.memory_space<semaphore_mem>>)
          %slice3A_203 = vector.extract_strided_slice %get3A_85 {offsets = [7], sizes = [1], strides = [1]} : vector<16xi32> to vector<1xi32>
          %squeeze3A_204 = vector.extract %slice3A_203[0] : i32 from vector<1xi32>
          %add3A_205 = arith.addi %mul3A_8, %add3A_83 : i32
          %add3A_206 = arith.constant 7 : i32
          %add3A_207 = arith.addi %add3A_205, %add3A_206 : i32
          %dma_start3A_208 = arith.constant 0 : i32
          %dma_start3A_209 = tpu.memref_slice %arg6[%squeeze3A_204, %dma_start3A_208] : memref<48x512xf32, #tpu.memory_space<vmem>> -> memref<1x512xf32, #tpu.memory_space<vmem>>
          %dma_start3A_210 = tpu.memref_squeeze %dma_start3A_209 : memref<1x512xf32, #tpu.memory_space<vmem>> -> memref<512xf32, #tpu.memory_space<vmem>>
          %dma_start3A_211 = arith.constant 0 : i32
          %dma_start3A_212 = tpu.memref_slice %arg5[%add3A_207, %dma_start3A_211] : memref<100000x512xf32, #tpu.memory_space<hbm>> -> memref<1x512xf32, #tpu.memory_space<hbm>>
          %dma_start3A_213 = tpu.memref_squeeze %dma_start3A_212 : memref<1x512xf32, #tpu.memory_space<hbm>> -> memref<512xf32, #tpu.memory_space<hbm>>
          %dma_start3A_214 = arith.constant 0 : i32
          %dma_start3A_215 = tpu.memref_slice %arg5[%add3A_207, %dma_start3A_214] : memref<100000x512xf32, #tpu.memory_space<hbm>> -> memref<1x512xf32, #tpu.memory_space<hbm>>
          %dma_start3A_216 = tpu.memref_squeeze %dma_start3A_215 : memref<1x512xf32, #tpu.memory_space<hbm>> -> memref<512xf32, #tpu.memory_space<hbm>>
          %dma_start3A_217 = arith.constant 0 : i32
          %dma_start3A_218 = tpu.memref_slice %arg6[%squeeze3A_204, %dma_start3A_217] : memref<48x512xf32, #tpu.memory_space<vmem>> -> memref<1x512xf32, #tpu.memory_space<vmem>>
          %dma_start3A_219 = tpu.memref_squeeze %dma_start3A_218 : memref<1x512xf32, #tpu.memory_space<vmem>> -> memref<512xf32, #tpu.memory_space<vmem>>
          tpu.enqueue_dma source(%dma_start3A_219 : memref<512xf32, #tpu.memory_space<vmem>>) target(%dma_start3A_216 : memref<512xf32, #tpu.memory_space<hbm>>) target_semaphore(%arg11 : memref<!tpu.dma_semaphore, #tpu.memory_space<semaphore_mem>>)
          %slice3A_220 = vector.extract_strided_slice %get3A_85 {offsets = [8], sizes = [1], strides = [1]} : vector<16xi32> to vector<1xi32>
          %squeeze3A_221 = vector.extract %slice3A_220[0] : i32 from vector<1xi32>
          %add3A_222 = arith.addi %mul3A_8, %add3A_83 : i32
          %add3A_223 = arith.constant 8 : i32
          %add3A_224 = arith.addi %add3A_222, %add3A_223 : i32
          %dma_start3A_225 = arith.constant 0 : i32
          %dma_start3A_226 = tpu.memref_slice %arg6[%squeeze3A_221, %dma_start3A_225] : memref<48x512xf32, #tpu.memory_space<vmem>> -> memref<1x512xf32, #tpu.memory_space<vmem>>
          %dma_start3A_227 = tpu.memref_squeeze %dma_start3A_226 : memref<1x512xf32, #tpu.memory_space<vmem>> -> memref<512xf32, #tpu.memory_space<vmem>>
          %dma_start3A_228 = arith.constant 0 : i32
          %dma_start3A_229 = tpu.memref_slice %arg5[%add3A_224, %dma_start3A_228] : memref<100000x512xf32, #tpu.memory_space<hbm>> -> memref<1x512xf32, #tpu.memory_space<hbm>>
          %dma_start3A_230 = tpu.memref_squeeze %dma_start3A_229 : memref<1x512xf32, #tpu.memory_space<hbm>> -> memref<512xf32, #tpu.memory_space<hbm>>
          %dma_start3A_231 = arith.constant 0 : i32
          %dma_start3A_232 = tpu.memref_slice %arg5[%add3A_224, %dma_start3A_231] : memref<100000x512xf32, #tpu.memory_space<hbm>> -> memref<1x512xf32, #tpu.memory_space<hbm>>
          %dma_start3A_233 = tpu.memref_squeeze %dma_start3A_232 : memref<1x512xf32, #tpu.memory_space<hbm>> -> memref<512xf32, #tpu.memory_space<hbm>>
          %dma_start3A_234 = arith.constant 0 : i32
          %dma_start3A_235 = tpu.memref_slice %arg6[%squeeze3A_221, %dma_start3A_234] : memref<48x512xf32, #tpu.memory_space<vmem>> -> memref<1x512xf32, #tpu.memory_space<vmem>>
          %dma_start3A_236 = tpu.memref_squeeze %dma_start3A_235 : memref<1x512xf32, #tpu.memory_space<vmem>> -> memref<512xf32, #tpu.memory_space<vmem>>
          tpu.enqueue_dma source(%dma_start3A_236 : memref<512xf32, #tpu.memory_space<vmem>>) target(%dma_start3A_233 : memref<512xf32, #tpu.memory_space<hbm>>) target_semaphore(%arg11 : memref<!tpu.dma_semaphore, #tpu.memory_space<semaphore_mem>>)
          %slice3A_237 = vector.extract_strided_slice %get3A_85 {offsets = [9], sizes = [1], strides = [1]} : vector<16xi32> to vector<1xi32>
          %squeeze3A_238 = vector.extract %slice3A_237[0] : i32 from vector<1xi32>
          %add3A_239 = arith.addi %mul3A_8, %add3A_83 : i32
          %add3A_240 = arith.constant 9 : i32
          %add3A_241 = arith.addi %add3A_239, %add3A_240 : i32
          %dma_start3A_242 = arith.constant 0 : i32
          %dma_start3A_243 = tpu.memref_slice %arg6[%squeeze3A_238, %dma_start3A_242] : memref<48x512xf32, #tpu.memory_space<vmem>> -> memref<1x512xf32, #tpu.memory_space<vmem>>
          %dma_start3A_244 = tpu.memref_squeeze %dma_start3A_243 : memref<1x512xf32, #tpu.memory_space<vmem>> -> memref<512xf32, #tpu.memory_space<vmem>>
          %dma_start3A_245 = arith.constant 0 : i32
          %dma_start3A_246 = tpu.memref_slice %arg5[%add3A_241, %dma_start3A_245] : memref<100000x512xf32, #tpu.memory_space<hbm>> -> memref<1x512xf32, #tpu.memory_space<hbm>>
          %dma_start3A_247 = tpu.memref_squeeze %dma_start3A_246 : memref<1x512xf32, #tpu.memory_space<hbm>> -> memref<512xf32, #tpu.memory_space<hbm>>
          %dma_start3A_248 = arith.constant 0 : i32
          %dma_start3A_249 = tpu.memref_slice %arg5[%add3A_241, %dma_start3A_248] : memref<100000x512xf32, #tpu.memory_space<hbm>> -> memref<1x512xf32, #tpu.memory_space<hbm>>
          %dma_start3A_250 = tpu.memref_squeeze %dma_start3A_249 : memref<1x512xf32, #tpu.memory_space<hbm>> -> memref<512xf32, #tpu.memory_space<hbm>>
          %dma_start3A_251 = arith.constant 0 : i32
          %dma_start3A_252 = tpu.memref_slice %arg6[%squeeze3A_238, %dma_start3A_251] : memref<48x512xf32, #tpu.memory_space<vmem>> -> memref<1x512xf32, #tpu.memory_space<vmem>>
          %dma_start3A_253 = tpu.memref_squeeze %dma_start3A_252 : memref<1x512xf32, #tpu.memory_space<vmem>> -> memref<512xf32, #tpu.memory_space<vmem>>
          tpu.enqueue_dma source(%dma_start3A_253 : memref<512xf32, #tpu.memory_space<vmem>>) target(%dma_start3A_250 : memref<512xf32, #tpu.memory_space<hbm>>) target_semaphore(%arg11 : memref<!tpu.dma_semaphore, #tpu.memory_space<semaphore_mem>>)
          %slice3A_254 = vector.extract_strided_slice %get3A_85 {offsets = [10], sizes = [1], strides = [1]} : vector<16xi32> to vector<1xi32>
          %squeeze3A_255 = vector.extract %slice3A_254[0] : i32 from vector<1xi32>
          %add3A_256 = arith.addi %mul3A_8, %add3A_83 : i32
          %add3A_257 = arith.constant 10 : i32
          %add3A_258 = arith.addi %add3A_256, %add3A_257 : i32
          %dma_start3A_259 = arith.constant 0 : i32
          %dma_start3A_260 = tpu.memref_slice %arg6[%squeeze3A_255, %dma_start3A_259] : memref<48x512xf32, #tpu.memory_space<vmem>> -> memref<1x512xf32, #tpu.memory_space<vmem>>
          %dma_start3A_261 = tpu.memref_squeeze %dma_start3A_260 : memref<1x512xf32, #tpu.memory_space<vmem>> -> memref<512xf32, #tpu.memory_space<vmem>>
          %dma_start3A_262 = arith.constant 0 : i32
          %dma_start3A_263 = tpu.memref_slice %arg5[%add3A_258, %dma_start3A_262] : memref<100000x512xf32, #tpu.memory_space<hbm>> -> memref<1x512xf32, #tpu.memory_space<hbm>>
          %dma_start3A_264 = tpu.memref_squeeze %dma_start3A_263 : memref<1x512xf32, #tpu.memory_space<hbm>> -> memref<512xf32, #tpu.memory_space<hbm>>
          %dma_start3A_265 = arith.constant 0 : i32
          %dma_start3A_266 = tpu.memref_slice %arg5[%add3A_258, %dma_start3A_265] : memref<100000x512xf32, #tpu.memory_space<hbm>> -> memref<1x512xf32, #tpu.memory_space<hbm>>
          %dma_start3A_267 = tpu.memref_squeeze %dma_start3A_266 : memref<1x512xf32, #tpu.memory_space<hbm>> -> memref<512xf32, #tpu.memory_space<hbm>>
          %dma_start3A_268 = arith.constant 0 : i32
          %dma_start3A_269 = tpu.memref_slice %arg6[%squeeze3A_255, %dma_start3A_268] : memref<48x512xf32, #tpu.memory_space<vmem>> -> memref<1x512xf32, #tpu.memory_space<vmem>>
          %dma_start3A_270 = tpu.memref_squeeze %dma_start3A_269 : memref<1x512xf32, #tpu.memory_space<vmem>> -> memref<512xf32, #tpu.memory_space<vmem>>
          tpu.enqueue_dma source(%dma_start3A_270 : memref<512xf32, #tpu.memory_space<vmem>>) target(%dma_start3A_267 : memref<512xf32, #tpu.memory_space<hbm>>) target_semaphore(%arg11 : memref<!tpu.dma_semaphore, #tpu.memory_space<semaphore_mem>>)
          %slice3A_271 = vector.extract_strided_slice %get3A_85 {offsets = [11], sizes = [1], strides = [1]} : vector<16xi32> to vector<1xi32>
          %squeeze3A_272 = vector.extract %slice3A_271[0] : i32 from vector<1xi32>
          %add3A_273 = arith.addi %mul3A_8, %add3A_83 : i32
          %add3A_274 = arith.constant 11 : i32
          %add3A_275 = arith.addi %add3A_273, %add3A_274 : i32
          %dma_start3A_276 = arith.constant 0 : i32
          %dma_start3A_277 = tpu.memref_slice %arg6[%squeeze3A_272, %dma_start3A_276] : memref<48x512xf32, #tpu.memory_space<vmem>> -> memref<1x512xf32, #tpu.memory_space<vmem>>
          %dma_start3A_278 = tpu.memref_squeeze %dma_start3A_277 : memref<1x512xf32, #tpu.memory_space<vmem>> -> memref<512xf32, #tpu.memory_space<vmem>>
          %dma_start3A_279 = arith.constant 0 : i32
          %dma_start3A_280 = tpu.memref_slice %arg5[%add3A_275, %dma_start3A_279] : memref<100000x512xf32, #tpu.memory_space<hbm>> -> memref<1x512xf32, #tpu.memory_space<hbm>>
          %dma_start3A_281 = tpu.memref_squeeze %dma_start3A_280 : memref<1x512xf32, #tpu.memory_space<hbm>> -> memref<512xf32, #tpu.memory_space<hbm>>
          %dma_start3A_282 = arith.constant 0 : i32
          %dma_start3A_283 = tpu.memref_slice %arg5[%add3A_275, %dma_start3A_282] : memref<100000x512xf32, #tpu.memory_space<hbm>> -> memref<1x512xf32, #tpu.memory_space<hbm>>
          %dma_start3A_284 = tpu.memref_squeeze %dma_start3A_283 : memref<1x512xf32, #tpu.memory_space<hbm>> -> memref<512xf32, #tpu.memory_space<hbm>>
          %dma_start3A_285 = arith.constant 0 : i32
          %dma_start3A_286 = tpu.memref_slice %arg6[%squeeze3A_272, %dma_start3A_285] : memref<48x512xf32, #tpu.memory_space<vmem>> -> memref<1x512xf32, #tpu.memory_space<vmem>>
          %dma_start3A_287 = tpu.memref_squeeze %dma_start3A_286 : memref<1x512xf32, #tpu.memory_space<vmem>> -> memref<512xf32, #tpu.memory_space<vmem>>
          tpu.enqueue_dma source(%dma_start3A_287 : memref<512xf32, #tpu.memory_space<vmem>>) target(%dma_start3A_284 : memref<512xf32, #tpu.memory_space<hbm>>) target_semaphore(%arg11 : memref<!tpu.dma_semaphore, #tpu.memory_space<semaphore_mem>>)
          %slice3A_288 = vector.extract_strided_slice %get3A_85 {offsets = [12], sizes = [1], strides = [1]} : vector<16xi32> to vector<1xi32>
          %squeeze3A_289 = vector.extract %slice3A_288[0] : i32 from vector<1xi32>
          %add3A_290 = arith.addi %mul3A_8, %add3A_83 : i32
          %add3A_291 = arith.constant 12 : i32
          %add3A_292 = arith.addi %add3A_290, %add3A_291 : i32
          %dma_start3A_293 = arith.constant 0 : i32
          %dma_start3A_294 = tpu.memref_slice %arg6[%squeeze3A_289, %dma_start3A_293] : memref<48x512xf32, #tpu.memory_space<vmem>> -> memref<1x512xf32, #tpu.memory_space<vmem>>
          %dma_start3A_295 = tpu.memref_squeeze %dma_start3A_294 : memref<1x512xf32, #tpu.memory_space<vmem>> -> memref<512xf32, #tpu.memory_space<vmem>>
          %dma_start3A_296 = arith.constant 0 : i32
          %dma_start3A_297 = tpu.memref_slice %arg5[%add3A_292, %dma_start3A_296] : memref<100000x512xf32, #tpu.memory_space<hbm>> -> memref<1x512xf32, #tpu.memory_space<hbm>>
          %dma_start3A_298 = tpu.memref_squeeze %dma_start3A_297 : memref<1x512xf32, #tpu.memory_space<hbm>> -> memref<512xf32, #tpu.memory_space<hbm>>
          %dma_start3A_299 = arith.constant 0 : i32
          %dma_start3A_300 = tpu.memref_slice %arg5[%add3A_292, %dma_start3A_299] : memref<100000x512xf32, #tpu.memory_space<hbm>> -> memref<1x512xf32, #tpu.memory_space<hbm>>
          %dma_start3A_301 = tpu.memref_squeeze %dma_start3A_300 : memref<1x512xf32, #tpu.memory_space<hbm>> -> memref<512xf32, #tpu.memory_space<hbm>>
          %dma_start3A_302 = arith.constant 0 : i32
          %dma_start3A_303 = tpu.memref_slice %arg6[%squeeze3A_289, %dma_start3A_302] : memref<48x512xf32, #tpu.memory_space<vmem>> -> memref<1x512xf32, #tpu.memory_space<vmem>>
          %dma_start3A_304 = tpu.memref_squeeze %dma_start3A_303 : memref<1x512xf32, #tpu.memory_space<vmem>> -> memref<512xf32, #tpu.memory_space<vmem>>
          tpu.enqueue_dma source(%dma_start3A_304 : memref<512xf32, #tpu.memory_space<vmem>>) target(%dma_start3A_301 : memref<512xf32, #tpu.memory_space<hbm>>) target_semaphore(%arg11 : memref<!tpu.dma_semaphore, #tpu.memory_space<semaphore_mem>>)
          %slice3A_305 = vector.extract_strided_slice %get3A_85 {offsets = [13], sizes = [1], strides = [1]} : vector<16xi32> to vector<1xi32>
          %squeeze3A_306 = vector.extract %slice3A_305[0] : i32 from vector<1xi32>
          %add3A_307 = arith.addi %mul3A_8, %add3A_83 : i32
          %add3A_308 = arith.constant 13 : i32
          %add3A_309 = arith.addi %add3A_307, %add3A_308 : i32
          %dma_start3A_310 = arith.constant 0 : i32
          %dma_start3A_311 = tpu.memref_slice %arg6[%squeeze3A_306, %dma_start3A_310] : memref<48x512xf32, #tpu.memory_space<vmem>> -> memref<1x512xf32, #tpu.memory_space<vmem>>
          %dma_start3A_312 = tpu.memref_squeeze %dma_start3A_311 : memref<1x512xf32, #tpu.memory_space<vmem>> -> memref<512xf32, #tpu.memory_space<vmem>>
          %dma_start3A_313 = arith.constant 0 : i32
          %dma_start3A_314 = tpu.memref_slice %arg5[%add3A_309, %dma_start3A_313] : memref<100000x512xf32, #tpu.memory_space<hbm>> -> memref<1x512xf32, #tpu.memory_space<hbm>>
          %dma_start3A_315 = tpu.memref_squeeze %dma_start3A_314 : memref<1x512xf32, #tpu.memory_space<hbm>> -> memref<512xf32, #tpu.memory_space<hbm>>
          %dma_start3A_316 = arith.constant 0 : i32
          %dma_start3A_317 = tpu.memref_slice %arg5[%add3A_309, %dma_start3A_316] : memref<100000x512xf32, #tpu.memory_space<hbm>> -> memref<1x512xf32, #tpu.memory_space<hbm>>
          %dma_start3A_318 = tpu.memref_squeeze %dma_start3A_317 : memref<1x512xf32, #tpu.memory_space<hbm>> -> memref<512xf32, #tpu.memory_space<hbm>>
          %dma_start3A_319 = arith.constant 0 : i32
          %dma_start3A_320 = tpu.memref_slice %arg6[%squeeze3A_306, %dma_start3A_319] : memref<48x512xf32, #tpu.memory_space<vmem>> -> memref<1x512xf32, #tpu.memory_space<vmem>>
          %dma_start3A_321 = tpu.memref_squeeze %dma_start3A_320 : memref<1x512xf32, #tpu.memory_space<vmem>> -> memref<512xf32, #tpu.memory_space<vmem>>
          tpu.enqueue_dma source(%dma_start3A_321 : memref<512xf32, #tpu.memory_space<vmem>>) target(%dma_start3A_318 : memref<512xf32, #tpu.memory_space<hbm>>) target_semaphore(%arg11 : memref<!tpu.dma_semaphore, #tpu.memory_space<semaphore_mem>>)
          %slice3A_322 = vector.extract_strided_slice %get3A_85 {offsets = [14], sizes = [1], strides = [1]} : vector<16xi32> to vector<1xi32>
          %squeeze3A_323 = vector.extract %slice3A_322[0] : i32 from vector<1xi32>
          %add3A_324 = arith.addi %mul3A_8, %add3A_83 : i32
          %add3A_325 = arith.constant 14 : i32
          %add3A_326 = arith.addi %add3A_324, %add3A_325 : i32
          %dma_start3A_327 = arith.constant 0 : i32
          %dma_start3A_328 = tpu.memref_slice %arg6[%squeeze3A_323, %dma_start3A_327] : memref<48x512xf32, #tpu.memory_space<vmem>> -> memref<1x512xf32, #tpu.memory_space<vmem>>
          %dma_start3A_329 = tpu.memref_squeeze %dma_start3A_328 : memref<1x512xf32, #tpu.memory_space<vmem>> -> memref<512xf32, #tpu.memory_space<vmem>>
          %dma_start3A_330 = arith.constant 0 : i32
          %dma_start3A_331 = tpu.memref_slice %arg5[%add3A_326, %dma_start3A_330] : memref<100000x512xf32, #tpu.memory_space<hbm>> -> memref<1x512xf32, #tpu.memory_space<hbm>>
          %dma_start3A_332 = tpu.memref_squeeze %dma_start3A_331 : memref<1x512xf32, #tpu.memory_space<hbm>> -> memref<512xf32, #tpu.memory_space<hbm>>
          %dma_start3A_333 = arith.constant 0 : i32
          %dma_start3A_334 = tpu.memref_slice %arg5[%add3A_326, %dma_start3A_333] : memref<100000x512xf32, #tpu.memory_space<hbm>> -> memref<1x512xf32, #tpu.memory_space<hbm>>
          %dma_start3A_335 = tpu.memref_squeeze %dma_start3A_334 : memref<1x512xf32, #tpu.memory_space<hbm>> -> memref<512xf32, #tpu.memory_space<hbm>>
          %dma_start3A_336 = arith.constant 0 : i32
          %dma_start3A_337 = tpu.memref_slice %arg6[%squeeze3A_323, %dma_start3A_336] : memref<48x512xf32, #tpu.memory_space<vmem>> -> memref<1x512xf32, #tpu.memory_space<vmem>>
          %dma_start3A_338 = tpu.memref_squeeze %dma_start3A_337 : memref<1x512xf32, #tpu.memory_space<vmem>> -> memref<512xf32, #tpu.memory_space<vmem>>
          tpu.enqueue_dma source(%dma_start3A_338 : memref<512xf32, #tpu.memory_space<vmem>>) target(%dma_start3A_335 : memref<512xf32, #tpu.memory_space<hbm>>) target_semaphore(%arg11 : memref<!tpu.dma_semaphore, #tpu.memory_space<semaphore_mem>>)
          %slice3A_339 = vector.extract_strided_slice %get3A_85 {offsets = [15], sizes = [1], strides = [1]} : vector<16xi32> to vector<1xi32>
          %squeeze3A_340 = vector.extract %slice3A_339[0] : i32 from vector<1xi32>
          %add3A_341 = arith.addi %mul3A_8, %add3A_83 : i32
          %add3A_342 = arith.constant 15 : i32
          %add3A_343 = arith.addi %add3A_341, %add3A_342 : i32
          %dma_start3A_344 = arith.constant 0 : i32
          %dma_start3A_345 = tpu.memref_slice %arg6[%squeeze3A_340, %dma_start3A_344] : memref<48x512xf32, #tpu.memory_space<vmem>> -> memref<1x512xf32, #tpu.memory_space<vmem>>
          %dma_start3A_346 = tpu.memref_squeeze %dma_start3A_345 : memref<1x512xf32, #tpu.memory_space<vmem>> -> memref<512xf32, #tpu.memory_space<vmem>>
          %dma_start3A_347 = arith.constant 0 : i32
          %dma_start3A_348 = tpu.memref_slice %arg5[%add3A_343, %dma_start3A_347] : memref<100000x512xf32, #tpu.memory_space<hbm>> -> memref<1x512xf32, #tpu.memory_space<hbm>>
          %dma_start3A_349 = tpu.memref_squeeze %dma_start3A_348 : memref<1x512xf32, #tpu.memory_space<hbm>> -> memref<512xf32, #tpu.memory_space<hbm>>
          %dma_start3A_350 = arith.constant 0 : i32
          %dma_start3A_351 = tpu.memref_slice %arg5[%add3A_343, %dma_start3A_350] : memref<100000x512xf32, #tpu.memory_space<hbm>> -> memref<1x512xf32, #tpu.memory_space<hbm>>
          %dma_start3A_352 = tpu.memref_squeeze %dma_start3A_351 : memref<1x512xf32, #tpu.memory_space<hbm>> -> memref<512xf32, #tpu.memory_space<hbm>>
          %dma_start3A_353 = arith.constant 0 : i32
          %dma_start3A_354 = tpu.memref_slice %arg6[%squeeze3A_340, %dma_start3A_353] : memref<48x512xf32, #tpu.memory_space<vmem>> -> memref<1x512xf32, #tpu.memory_space<vmem>>
          %dma_start3A_355 = tpu.memref_squeeze %dma_start3A_354 : memref<1x512xf32, #tpu.memory_space<vmem>> -> memref<512xf32, #tpu.memory_space<vmem>>
          tpu.enqueue_dma source(%dma_start3A_355 : memref<512xf32, #tpu.memory_space<vmem>>) target(%dma_start3A_352 : memref<512xf32, #tpu.memory_space<hbm>>) target_semaphore(%arg11 : memref<!tpu.dma_semaphore, #tpu.memory_space<semaphore_mem>>)
        }
        %scan3A_77 = arith.constant 5 : i32
      } else {
      }
      %mul3A_55 = arith.constant 2 : i32
      %mul3A_56 = arith.muli %mul3A_55, %scan3A_42 : i32
      %add3A_57 = arith.constant 1 : i32
      %add3A_58 = arith.addi %mul3A_56, %add3A_57 : i32
      %ge3A_59 = arith.constant 2 : i32
      %ge3A_60 = arith.cmpi sge, %add3A_58, %ge3A_59 : i32
      %sub3A_61 = arith.constant 2 : i32
      %sub3A_62 = arith.subi %add3A_58, %sub3A_61 : i32
      %lt3A_63 = arith.cmpi slt, %sub3A_62, %select_n3A : i32
      %and3A_64 = arith.andi %ge3A_60, %lt3A_63 : i1
      %convert_element_type3A_65 = arith.extui %and3A_64 : i1 to i32
      %cond3A_66 = arith.constant 0 : i32
      %cond3A_67 = arith.cmpi ne, %convert_element_type3A_65, %cond3A_66 : i32
      scf.if %cond3A_67 {
        %sub3A_72 = arith.constant 2 : i32
        %sub3A_73 = arith.subi %add3A_58, %sub3A_72 : i32
        %mul3A_74 = arith.constant 80 : i32
        %mul3A_75 = arith.muli %sub3A_73, %mul3A_74 : i32
        %add3A_76 = arith.addi %mul3A_8, %mul3A_75 : i32
        %dma_wait3A_77 = arith.constant 0 : i32
        %dma_wait3A_78 = tpu.memref_slice %arg5[%add3A_76, %dma_wait3A_77] : memref<100000x512xf32, #tpu.memory_space<hbm>> -> memref<80x512xf32, #tpu.memory_space<hbm>>
        %dma_wait3A_79 = arith.constant 0 : i32
        %dma_wait3A_80 = tpu.memref_slice %arg5[%add3A_76, %dma_wait3A_79] : memref<100000x512xf32, #tpu.memory_space<hbm>> -> memref<80x512xf32, #tpu.memory_space<hbm>>
        tpu.wait_dma2 semaphore(%arg12 : memref<!tpu.dma_semaphore, #tpu.memory_space<semaphore_mem>>) src(%dma_wait3A_80 : memref<80x512xf32, #tpu.memory_space<hbm>>) dst(%arg10 : memref<80x512xf32, #tpu.memory_space<vmem>>)
      } else {
      }
      %lt3A_68 = arith.cmpi slt, %add3A_58, %select_n3A : i32
      %convert_element_type3A_69 = arith.extui %lt3A_68 : i1 to i32
      %cond3A_70 = arith.constant 0 : i32
      %cond3A_71 = arith.cmpi ne, %convert_element_type3A_69, %cond3A_70 : i32
      scf.if %cond3A_71 {
        %scan3A_72 = arith.constant 0 : i32
        %scan3A_73 = arith.constant 0 : i32
        %scan3A_74 = arith.constant 5 : i32
        %scan3A_75 = arith.addi %scan3A_73, %scan3A_74 : i32
        %scan3A_76 = arith.constant 1 : i32
        scf.for %scan3A_78 = %scan3A_73 to %scan3A_75 step %scan3A_76  : i32 {
          %mul3A_79 = arith.constant 80 : i32
          %mul3A_80 = arith.muli %add3A_58, %mul3A_79 : i32
          %mul3A_81 = arith.constant 16 : i32
          %mul3A_82 = arith.muli %scan3A_78, %mul3A_81 : i32
          %add3A_83 = arith.addi %mul3A_80, %mul3A_82 : i32
          %get3A = arith.index_cast %add3A_83 : i32 to index
          %get3A_84 = tpu.vector_load %arg9[%get3A] {strides = array<i32>} : memref<3200xi32, #tpu.memory_space<vmem>>, vector<16xi32>,
          %get3A_85 = vector.shape_cast %get3A_84 : vector<16xi32> to vector<16xi32>
          %slice3A = vector.extract_strided_slice %get3A_85 {offsets = [0], sizes = [1], strides = [1]} : vector<16xi32> to vector<1xi32>
          %squeeze3A = vector.extract %slice3A[0] : i32 from vector<1xi32>
          %add3A_86 = arith.addi %mul3A_8, %add3A_83 : i32
          %add3A_87 = arith.constant 0 : i32
          %add3A_88 = arith.addi %add3A_86, %add3A_87 : i32
          %dma_start3A_89 = arith.constant 0 : i32
          %dma_start3A_90 = tpu.memref_slice %arg6[%squeeze3A, %dma_start3A_89] : memref<48x512xf32, #tpu.memory_space<vmem>> -> memref<1x512xf32, #tpu.memory_space<vmem>>
          %dma_start3A_91 = tpu.memref_squeeze %dma_start3A_90 : memref<1x512xf32, #tpu.memory_space<vmem>> -> memref<512xf32, #tpu.memory_space<vmem>>
          %dma_start3A_92 = arith.constant 0 : i32
          %dma_start3A_93 = tpu.memref_slice %arg5[%add3A_88, %dma_start3A_92] : memref<100000x512xf32, #tpu.memory_space<hbm>> -> memref<1x512xf32, #tpu.memory_space<hbm>>
          %dma_start3A_94 = tpu.memref_squeeze %dma_start3A_93 : memref<1x512xf32, #tpu.memory_space<hbm>> -> memref<512xf32, #tpu.memory_space<hbm>>
          %dma_start3A_95 = arith.constant 0 : i32
          %dma_start3A_96 = tpu.memref_slice %arg5[%add3A_88, %dma_start3A_95] : memref<100000x512xf32, #tpu.memory_space<hbm>> -> memref<1x512xf32, #tpu.memory_space<hbm>>
          %dma_start3A_97 = tpu.memref_squeeze %dma_start3A_96 : memref<1x512xf32, #tpu.memory_space<hbm>> -> memref<512xf32, #tpu.memory_space<hbm>>
          %dma_start3A_98 = arith.constant 0 : i32
          %dma_start3A_99 = tpu.memref_slice %arg6[%squeeze3A, %dma_start3A_98] : memref<48x512xf32, #tpu.memory_space<vmem>> -> memref<1x512xf32, #tpu.memory_space<vmem>>
          %dma_start3A_100 = tpu.memref_squeeze %dma_start3A_99 : memref<1x512xf32, #tpu.memory_space<vmem>> -> memref<512xf32, #tpu.memory_space<vmem>>
          tpu.enqueue_dma source(%dma_start3A_100 : memref<512xf32, #tpu.memory_space<vmem>>) target(%dma_start3A_97 : memref<512xf32, #tpu.memory_space<hbm>>) target_semaphore(%arg12 : memref<!tpu.dma_semaphore, #tpu.memory_space<semaphore_mem>>)
          %slice3A_101 = vector.extract_strided_slice %get3A_85 {offsets = [1], sizes = [1], strides = [1]} : vector<16xi32> to vector<1xi32>
          %squeeze3A_102 = vector.extract %slice3A_101[0] : i32 from vector<1xi32>
          %add3A_103 = arith.addi %mul3A_8, %add3A_83 : i32
          %add3A_104 = arith.constant 1 : i32
          %add3A_105 = arith.addi %add3A_103, %add3A_104 : i32
          %dma_start3A_106 = arith.constant 0 : i32
          %dma_start3A_107 = tpu.memref_slice %arg6[%squeeze3A_102, %dma_start3A_106] : memref<48x512xf32, #tpu.memory_space<vmem>> -> memref<1x512xf32, #tpu.memory_space<vmem>>
          %dma_start3A_108 = tpu.memref_squeeze %dma_start3A_107 : memref<1x512xf32, #tpu.memory_space<vmem>> -> memref<512xf32, #tpu.memory_space<vmem>>
          %dma_start3A_109 = arith.constant 0 : i32
          %dma_start3A_110 = tpu.memref_slice %arg5[%add3A_105, %dma_start3A_109] : memref<100000x512xf32, #tpu.memory_space<hbm>> -> memref<1x512xf32, #tpu.memory_space<hbm>>
          %dma_start3A_111 = tpu.memref_squeeze %dma_start3A_110 : memref<1x512xf32, #tpu.memory_space<hbm>> -> memref<512xf32, #tpu.memory_space<hbm>>
          %dma_start3A_112 = arith.constant 0 : i32
          %dma_start3A_113 = tpu.memref_slice %arg5[%add3A_105, %dma_start3A_112] : memref<100000x512xf32, #tpu.memory_space<hbm>> -> memref<1x512xf32, #tpu.memory_space<hbm>>
          %dma_start3A_114 = tpu.memref_squeeze %dma_start3A_113 : memref<1x512xf32, #tpu.memory_space<hbm>> -> memref<512xf32, #tpu.memory_space<hbm>>
          %dma_start3A_115 = arith.constant 0 : i32
          %dma_start3A_116 = tpu.memref_slice %arg6[%squeeze3A_102, %dma_start3A_115] : memref<48x512xf32, #tpu.memory_space<vmem>> -> memref<1x512xf32, #tpu.memory_space<vmem>>
          %dma_start3A_117 = tpu.memref_squeeze %dma_start3A_116 : memref<1x512xf32, #tpu.memory_space<vmem>> -> memref<512xf32, #tpu.memory_space<vmem>>
          tpu.enqueue_dma source(%dma_start3A_117 : memref<512xf32, #tpu.memory_space<vmem>>) target(%dma_start3A_114 : memref<512xf32, #tpu.memory_space<hbm>>) target_semaphore(%arg12 : memref<!tpu.dma_semaphore, #tpu.memory_space<semaphore_mem>>)
          %slice3A_118 = vector.extract_strided_slice %get3A_85 {offsets = [2], sizes = [1], strides = [1]} : vector<16xi32> to vector<1xi32>
          %squeeze3A_119 = vector.extract %slice3A_118[0] : i32 from vector<1xi32>
          %add3A_120 = arith.addi %mul3A_8, %add3A_83 : i32
          %add3A_121 = arith.constant 2 : i32
          %add3A_122 = arith.addi %add3A_120, %add3A_121 : i32
          %dma_start3A_123 = arith.constant 0 : i32
          %dma_start3A_124 = tpu.memref_slice %arg6[%squeeze3A_119, %dma_start3A_123] : memref<48x512xf32, #tpu.memory_space<vmem>> -> memref<1x512xf32, #tpu.memory_space<vmem>>
          %dma_start3A_125 = tpu.memref_squeeze %dma_start3A_124 : memref<1x512xf32, #tpu.memory_space<vmem>> -> memref<512xf32, #tpu.memory_space<vmem>>
          %dma_start3A_126 = arith.constant 0 : i32
          %dma_start3A_127 = tpu.memref_slice %arg5[%add3A_122, %dma_start3A_126] : memref<100000x512xf32, #tpu.memory_space<hbm>> -> memref<1x512xf32, #tpu.memory_space<hbm>>
          %dma_start3A_128 = tpu.memref_squeeze %dma_start3A_127 : memref<1x512xf32, #tpu.memory_space<hbm>> -> memref<512xf32, #tpu.memory_space<hbm>>
          %dma_start3A_129 = arith.constant 0 : i32
          %dma_start3A_130 = tpu.memref_slice %arg5[%add3A_122, %dma_start3A_129] : memref<100000x512xf32, #tpu.memory_space<hbm>> -> memref<1x512xf32, #tpu.memory_space<hbm>>
          %dma_start3A_131 = tpu.memref_squeeze %dma_start3A_130 : memref<1x512xf32, #tpu.memory_space<hbm>> -> memref<512xf32, #tpu.memory_space<hbm>>
          %dma_start3A_132 = arith.constant 0 : i32
          %dma_start3A_133 = tpu.memref_slice %arg6[%squeeze3A_119, %dma_start3A_132] : memref<48x512xf32, #tpu.memory_space<vmem>> -> memref<1x512xf32, #tpu.memory_space<vmem>>
          %dma_start3A_134 = tpu.memref_squeeze %dma_start3A_133 : memref<1x512xf32, #tpu.memory_space<vmem>> -> memref<512xf32, #tpu.memory_space<vmem>>
          tpu.enqueue_dma source(%dma_start3A_134 : memref<512xf32, #tpu.memory_space<vmem>>) target(%dma_start3A_131 : memref<512xf32, #tpu.memory_space<hbm>>) target_semaphore(%arg12 : memref<!tpu.dma_semaphore, #tpu.memory_space<semaphore_mem>>)
          %slice3A_135 = vector.extract_strided_slice %get3A_85 {offsets = [3], sizes = [1], strides = [1]} : vector<16xi32> to vector<1xi32>
          %squeeze3A_136 = vector.extract %slice3A_135[0] : i32 from vector<1xi32>
          %add3A_137 = arith.addi %mul3A_8, %add3A_83 : i32
          %add3A_138 = arith.constant 3 : i32
          %add3A_139 = arith.addi %add3A_137, %add3A_138 : i32
          %dma_start3A_140 = arith.constant 0 : i32
          %dma_start3A_141 = tpu.memref_slice %arg6[%squeeze3A_136, %dma_start3A_140] : memref<48x512xf32, #tpu.memory_space<vmem>> -> memref<1x512xf32, #tpu.memory_space<vmem>>
          %dma_start3A_142 = tpu.memref_squeeze %dma_start3A_141 : memref<1x512xf32, #tpu.memory_space<vmem>> -> memref<512xf32, #tpu.memory_space<vmem>>
          %dma_start3A_143 = arith.constant 0 : i32
          %dma_start3A_144 = tpu.memref_slice %arg5[%add3A_139, %dma_start3A_143] : memref<100000x512xf32, #tpu.memory_space<hbm>> -> memref<1x512xf32, #tpu.memory_space<hbm>>
          %dma_start3A_145 = tpu.memref_squeeze %dma_start3A_144 : memref<1x512xf32, #tpu.memory_space<hbm>> -> memref<512xf32, #tpu.memory_space<hbm>>
          %dma_start3A_146 = arith.constant 0 : i32
          %dma_start3A_147 = tpu.memref_slice %arg5[%add3A_139, %dma_start3A_146] : memref<100000x512xf32, #tpu.memory_space<hbm>> -> memref<1x512xf32, #tpu.memory_space<hbm>>
          %dma_start3A_148 = tpu.memref_squeeze %dma_start3A_147 : memref<1x512xf32, #tpu.memory_space<hbm>> -> memref<512xf32, #tpu.memory_space<hbm>>
          %dma_start3A_149 = arith.constant 0 : i32
          %dma_start3A_150 = tpu.memref_slice %arg6[%squeeze3A_136, %dma_start3A_149] : memref<48x512xf32, #tpu.memory_space<vmem>> -> memref<1x512xf32, #tpu.memory_space<vmem>>
          %dma_start3A_151 = tpu.memref_squeeze %dma_start3A_150 : memref<1x512xf32, #tpu.memory_space<vmem>> -> memref<512xf32, #tpu.memory_space<vmem>>
          tpu.enqueue_dma source(%dma_start3A_151 : memref<512xf32, #tpu.memory_space<vmem>>) target(%dma_start3A_148 : memref<512xf32, #tpu.memory_space<hbm>>) target_semaphore(%arg12 : memref<!tpu.dma_semaphore, #tpu.memory_space<semaphore_mem>>)
          %slice3A_152 = vector.extract_strided_slice %get3A_85 {offsets = [4], sizes = [1], strides = [1]} : vector<16xi32> to vector<1xi32>
          %squeeze3A_153 = vector.extract %slice3A_152[0] : i32 from vector<1xi32>
          %add3A_154 = arith.addi %mul3A_8, %add3A_83 : i32
          %add3A_155 = arith.constant 4 : i32
          %add3A_156 = arith.addi %add3A_154, %add3A_155 : i32
          %dma_start3A_157 = arith.constant 0 : i32
          %dma_start3A_158 = tpu.memref_slice %arg6[%squeeze3A_153, %dma_start3A_157] : memref<48x512xf32, #tpu.memory_space<vmem>> -> memref<1x512xf32, #tpu.memory_space<vmem>>
          %dma_start3A_159 = tpu.memref_squeeze %dma_start3A_158 : memref<1x512xf32, #tpu.memory_space<vmem>> -> memref<512xf32, #tpu.memory_space<vmem>>
          %dma_start3A_160 = arith.constant 0 : i32
          %dma_start3A_161 = tpu.memref_slice %arg5[%add3A_156, %dma_start3A_160] : memref<100000x512xf32, #tpu.memory_space<hbm>> -> memref<1x512xf32, #tpu.memory_space<hbm>>
          %dma_start3A_162 = tpu.memref_squeeze %dma_start3A_161 : memref<1x512xf32, #tpu.memory_space<hbm>> -> memref<512xf32, #tpu.memory_space<hbm>>
          %dma_start3A_163 = arith.constant 0 : i32
          %dma_start3A_164 = tpu.memref_slice %arg5[%add3A_156, %dma_start3A_163] : memref<100000x512xf32, #tpu.memory_space<hbm>> -> memref<1x512xf32, #tpu.memory_space<hbm>>
          %dma_start3A_165 = tpu.memref_squeeze %dma_start3A_164 : memref<1x512xf32, #tpu.memory_space<hbm>> -> memref<512xf32, #tpu.memory_space<hbm>>
          %dma_start3A_166 = arith.constant 0 : i32
          %dma_start3A_167 = tpu.memref_slice %arg6[%squeeze3A_153, %dma_start3A_166] : memref<48x512xf32, #tpu.memory_space<vmem>> -> memref<1x512xf32, #tpu.memory_space<vmem>>
          %dma_start3A_168 = tpu.memref_squeeze %dma_start3A_167 : memref<1x512xf32, #tpu.memory_space<vmem>> -> memref<512xf32, #tpu.memory_space<vmem>>
          tpu.enqueue_dma source(%dma_start3A_168 : memref<512xf32, #tpu.memory_space<vmem>>) target(%dma_start3A_165 : memref<512xf32, #tpu.memory_space<hbm>>) target_semaphore(%arg12 : memref<!tpu.dma_semaphore, #tpu.memory_space<semaphore_mem>>)
          %slice3A_169 = vector.extract_strided_slice %get3A_85 {offsets = [5], sizes = [1], strides = [1]} : vector<16xi32> to vector<1xi32>
          %squeeze3A_170 = vector.extract %slice3A_169[0] : i32 from vector<1xi32>
          %add3A_171 = arith.addi %mul3A_8, %add3A_83 : i32
          %add3A_172 = arith.constant 5 : i32
          %add3A_173 = arith.addi %add3A_171, %add3A_172 : i32
          %dma_start3A_174 = arith.constant 0 : i32
          %dma_start3A_175 = tpu.memref_slice %arg6[%squeeze3A_170, %dma_start3A_174] : memref<48x512xf32, #tpu.memory_space<vmem>> -> memref<1x512xf32, #tpu.memory_space<vmem>>
          %dma_start3A_176 = tpu.memref_squeeze %dma_start3A_175 : memref<1x512xf32, #tpu.memory_space<vmem>> -> memref<512xf32, #tpu.memory_space<vmem>>
          %dma_start3A_177 = arith.constant 0 : i32
          %dma_start3A_178 = tpu.memref_slice %arg5[%add3A_173, %dma_start3A_177] : memref<100000x512xf32, #tpu.memory_space<hbm>> -> memref<1x512xf32, #tpu.memory_space<hbm>>
          %dma_start3A_179 = tpu.memref_squeeze %dma_start3A_178 : memref<1x512xf32, #tpu.memory_space<hbm>> -> memref<512xf32, #tpu.memory_space<hbm>>
          %dma_start3A_180 = arith.constant 0 : i32
          %dma_start3A_181 = tpu.memref_slice %arg5[%add3A_173, %dma_start3A_180] : memref<100000x512xf32, #tpu.memory_space<hbm>> -> memref<1x512xf32, #tpu.memory_space<hbm>>
          %dma_start3A_182 = tpu.memref_squeeze %dma_start3A_181 : memref<1x512xf32, #tpu.memory_space<hbm>> -> memref<512xf32, #tpu.memory_space<hbm>>
          %dma_start3A_183 = arith.constant 0 : i32
          %dma_start3A_184 = tpu.memref_slice %arg6[%squeeze3A_170, %dma_start3A_183] : memref<48x512xf32, #tpu.memory_space<vmem>> -> memref<1x512xf32, #tpu.memory_space<vmem>>
          %dma_start3A_185 = tpu.memref_squeeze %dma_start3A_184 : memref<1x512xf32, #tpu.memory_space<vmem>> -> memref<512xf32, #tpu.memory_space<vmem>>
          tpu.enqueue_dma source(%dma_start3A_185 : memref<512xf32, #tpu.memory_space<vmem>>) target(%dma_start3A_182 : memref<512xf32, #tpu.memory_space<hbm>>) target_semaphore(%arg12 : memref<!tpu.dma_semaphore, #tpu.memory_space<semaphore_mem>>)
          %slice3A_186 = vector.extract_strided_slice %get3A_85 {offsets = [6], sizes = [1], strides = [1]} : vector<16xi32> to vector<1xi32>
          %squeeze3A_187 = vector.extract %slice3A_186[0] : i32 from vector<1xi32>
          %add3A_188 = arith.addi %mul3A_8, %add3A_83 : i32
          %add3A_189 = arith.constant 6 : i32
          %add3A_190 = arith.addi %add3A_188, %add3A_189 : i32
          %dma_start3A_191 = arith.constant 0 : i32
          %dma_start3A_192 = tpu.memref_slice %arg6[%squeeze3A_187, %dma_start3A_191] : memref<48x512xf32, #tpu.memory_space<vmem>> -> memref<1x512xf32, #tpu.memory_space<vmem>>
          %dma_start3A_193 = tpu.memref_squeeze %dma_start3A_192 : memref<1x512xf32, #tpu.memory_space<vmem>> -> memref<512xf32, #tpu.memory_space<vmem>>
          %dma_start3A_194 = arith.constant 0 : i32
          %dma_start3A_195 = tpu.memref_slice %arg5[%add3A_190, %dma_start3A_194] : memref<100000x512xf32, #tpu.memory_space<hbm>> -> memref<1x512xf32, #tpu.memory_space<hbm>>
          %dma_start3A_196 = tpu.memref_squeeze %dma_start3A_195 : memref<1x512xf32, #tpu.memory_space<hbm>> -> memref<512xf32, #tpu.memory_space<hbm>>
          %dma_start3A_197 = arith.constant 0 : i32
          %dma_start3A_198 = tpu.memref_slice %arg5[%add3A_190, %dma_start3A_197] : memref<100000x512xf32, #tpu.memory_space<hbm>> -> memref<1x512xf32, #tpu.memory_space<hbm>>
          %dma_start3A_199 = tpu.memref_squeeze %dma_start3A_198 : memref<1x512xf32, #tpu.memory_space<hbm>> -> memref<512xf32, #tpu.memory_space<hbm>>
          %dma_start3A_200 = arith.constant 0 : i32
          %dma_start3A_201 = tpu.memref_slice %arg6[%squeeze3A_187, %dma_start3A_200] : memref<48x512xf32, #tpu.memory_space<vmem>> -> memref<1x512xf32, #tpu.memory_space<vmem>>
          %dma_start3A_202 = tpu.memref_squeeze %dma_start3A_201 : memref<1x512xf32, #tpu.memory_space<vmem>> -> memref<512xf32, #tpu.memory_space<vmem>>
          tpu.enqueue_dma source(%dma_start3A_202 : memref<512xf32, #tpu.memory_space<vmem>>) target(%dma_start3A_199 : memref<512xf32, #tpu.memory_space<hbm>>) target_semaphore(%arg12 : memref<!tpu.dma_semaphore, #tpu.memory_space<semaphore_mem>>)
          %slice3A_203 = vector.extract_strided_slice %get3A_85 {offsets = [7], sizes = [1], strides = [1]} : vector<16xi32> to vector<1xi32>
          %squeeze3A_204 = vector.extract %slice3A_203[0] : i32 from vector<1xi32>
          %add3A_205 = arith.addi %mul3A_8, %add3A_83 : i32
          %add3A_206 = arith.constant 7 : i32
          %add3A_207 = arith.addi %add3A_205, %add3A_206 : i32
          %dma_start3A_208 = arith.constant 0 : i32
          %dma_start3A_209 = tpu.memref_slice %arg6[%squeeze3A_204, %dma_start3A_208] : memref<48x512xf32, #tpu.memory_space<vmem>> -> memref<1x512xf32, #tpu.memory_space<vmem>>
          %dma_start3A_210 = tpu.memref_squeeze %dma_start3A_209 : memref<1x512xf32, #tpu.memory_space<vmem>> -> memref<512xf32, #tpu.memory_space<vmem>>
          %dma_start3A_211 = arith.constant 0 : i32
          %dma_start3A_212 = tpu.memref_slice %arg5[%add3A_207, %dma_start3A_211] : memref<100000x512xf32, #tpu.memory_space<hbm>> -> memref<1x512xf32, #tpu.memory_space<hbm>>
          %dma_start3A_213 = tpu.memref_squeeze %dma_start3A_212 : memref<1x512xf32, #tpu.memory_space<hbm>> -> memref<512xf32, #tpu.memory_space<hbm>>
          %dma_start3A_214 = arith.constant 0 : i32
          %dma_start3A_215 = tpu.memref_slice %arg5[%add3A_207, %dma_start3A_214] : memref<100000x512xf32, #tpu.memory_space<hbm>> -> memref<1x512xf32, #tpu.memory_space<hbm>>
          %dma_start3A_216 = tpu.memref_squeeze %dma_start3A_215 : memref<1x512xf32, #tpu.memory_space<hbm>> -> memref<512xf32, #tpu.memory_space<hbm>>
          %dma_start3A_217 = arith.constant 0 : i32
          %dma_start3A_218 = tpu.memref_slice %arg6[%squeeze3A_204, %dma_start3A_217] : memref<48x512xf32, #tpu.memory_space<vmem>> -> memref<1x512xf32, #tpu.memory_space<vmem>>
          %dma_start3A_219 = tpu.memref_squeeze %dma_start3A_218 : memref<1x512xf32, #tpu.memory_space<vmem>> -> memref<512xf32, #tpu.memory_space<vmem>>
          tpu.enqueue_dma source(%dma_start3A_219 : memref<512xf32, #tpu.memory_space<vmem>>) target(%dma_start3A_216 : memref<512xf32, #tpu.memory_space<hbm>>) target_semaphore(%arg12 : memref<!tpu.dma_semaphore, #tpu.memory_space<semaphore_mem>>)
          %slice3A_220 = vector.extract_strided_slice %get3A_85 {offsets = [8], sizes = [1], strides = [1]} : vector<16xi32> to vector<1xi32>
          %squeeze3A_221 = vector.extract %slice3A_220[0] : i32 from vector<1xi32>
          %add3A_222 = arith.addi %mul3A_8, %add3A_83 : i32
          %add3A_223 = arith.constant 8 : i32
          %add3A_224 = arith.addi %add3A_222, %add3A_223 : i32
          %dma_start3A_225 = arith.constant 0 : i32
          %dma_start3A_226 = tpu.memref_slice %arg6[%squeeze3A_221, %dma_start3A_225] : memref<48x512xf32, #tpu.memory_space<vmem>> -> memref<1x512xf32, #tpu.memory_space<vmem>>
          %dma_start3A_227 = tpu.memref_squeeze %dma_start3A_226 : memref<1x512xf32, #tpu.memory_space<vmem>> -> memref<512xf32, #tpu.memory_space<vmem>>
          %dma_start3A_228 = arith.constant 0 : i32
          %dma_start3A_229 = tpu.memref_slice %arg5[%add3A_224, %dma_start3A_228] : memref<100000x512xf32, #tpu.memory_space<hbm>> -> memref<1x512xf32, #tpu.memory_space<hbm>>
          %dma_start3A_230 = tpu.memref_squeeze %dma_start3A_229 : memref<1x512xf32, #tpu.memory_space<hbm>> -> memref<512xf32, #tpu.memory_space<hbm>>
          %dma_start3A_231 = arith.constant 0 : i32
          %dma_start3A_232 = tpu.memref_slice %arg5[%add3A_224, %dma_start3A_231] : memref<100000x512xf32, #tpu.memory_space<hbm>> -> memref<1x512xf32, #tpu.memory_space<hbm>>
          %dma_start3A_233 = tpu.memref_squeeze %dma_start3A_232 : memref<1x512xf32, #tpu.memory_space<hbm>> -> memref<512xf32, #tpu.memory_space<hbm>>
          %dma_start3A_234 = arith.constant 0 : i32
          %dma_start3A_235 = tpu.memref_slice %arg6[%squeeze3A_221, %dma_start3A_234] : memref<48x512xf32, #tpu.memory_space<vmem>> -> memref<1x512xf32, #tpu.memory_space<vmem>>
          %dma_start3A_236 = tpu.memref_squeeze %dma_start3A_235 : memref<1x512xf32, #tpu.memory_space<vmem>> -> memref<512xf32, #tpu.memory_space<vmem>>
          tpu.enqueue_dma source(%dma_start3A_236 : memref<512xf32, #tpu.memory_space<vmem>>) target(%dma_start3A_233 : memref<512xf32, #tpu.memory_space<hbm>>) target_semaphore(%arg12 : memref<!tpu.dma_semaphore, #tpu.memory_space<semaphore_mem>>)
          %slice3A_237 = vector.extract_strided_slice %get3A_85 {offsets = [9], sizes = [1], strides = [1]} : vector<16xi32> to vector<1xi32>
          %squeeze3A_238 = vector.extract %slice3A_237[0] : i32 from vector<1xi32>
          %add3A_239 = arith.addi %mul3A_8, %add3A_83 : i32
          %add3A_240 = arith.constant 9 : i32
          %add3A_241 = arith.addi %add3A_239, %add3A_240 : i32
          %dma_start3A_242 = arith.constant 0 : i32
          %dma_start3A_243 = tpu.memref_slice %arg6[%squeeze3A_238, %dma_start3A_242] : memref<48x512xf32, #tpu.memory_space<vmem>> -> memref<1x512xf32, #tpu.memory_space<vmem>>
          %dma_start3A_244 = tpu.memref_squeeze %dma_start3A_243 : memref<1x512xf32, #tpu.memory_space<vmem>> -> memref<512xf32, #tpu.memory_space<vmem>>
          %dma_start3A_245 = arith.constant 0 : i32
          %dma_start3A_246 = tpu.memref_slice %arg5[%add3A_241, %dma_start3A_245] : memref<100000x512xf32, #tpu.memory_space<hbm>> -> memref<1x512xf32, #tpu.memory_space<hbm>>
          %dma_start3A_247 = tpu.memref_squeeze %dma_start3A_246 : memref<1x512xf32, #tpu.memory_space<hbm>> -> memref<512xf32, #tpu.memory_space<hbm>>
          %dma_start3A_248 = arith.constant 0 : i32
          %dma_start3A_249 = tpu.memref_slice %arg5[%add3A_241, %dma_start3A_248] : memref<100000x512xf32, #tpu.memory_space<hbm>> -> memref<1x512xf32, #tpu.memory_space<hbm>>
          %dma_start3A_250 = tpu.memref_squeeze %dma_start3A_249 : memref<1x512xf32, #tpu.memory_space<hbm>> -> memref<512xf32, #tpu.memory_space<hbm>>
          %dma_start3A_251 = arith.constant 0 : i32
          %dma_start3A_252 = tpu.memref_slice %arg6[%squeeze3A_238, %dma_start3A_251] : memref<48x512xf32, #tpu.memory_space<vmem>> -> memref<1x512xf32, #tpu.memory_space<vmem>>
          %dma_start3A_253 = tpu.memref_squeeze %dma_start3A_252 : memref<1x512xf32, #tpu.memory_space<vmem>> -> memref<512xf32, #tpu.memory_space<vmem>>
          tpu.enqueue_dma source(%dma_start3A_253 : memref<512xf32, #tpu.memory_space<vmem>>) target(%dma_start3A_250 : memref<512xf32, #tpu.memory_space<hbm>>) target_semaphore(%arg12 : memref<!tpu.dma_semaphore, #tpu.memory_space<semaphore_mem>>)
          %slice3A_254 = vector.extract_strided_slice %get3A_85 {offsets = [10], sizes = [1], strides = [1]} : vector<16xi32> to vector<1xi32>
          %squeeze3A_255 = vector.extract %slice3A_254[0] : i32 from vector<1xi32>
          %add3A_256 = arith.addi %mul3A_8, %add3A_83 : i32
          %add3A_257 = arith.constant 10 : i32
          %add3A_258 = arith.addi %add3A_256, %add3A_257 : i32
          %dma_start3A_259 = arith.constant 0 : i32
          %dma_start3A_260 = tpu.memref_slice %arg6[%squeeze3A_255, %dma_start3A_259] : memref<48x512xf32, #tpu.memory_space<vmem>> -> memref<1x512xf32, #tpu.memory_space<vmem>>
          %dma_start3A_261 = tpu.memref_squeeze %dma_start3A_260 : memref<1x512xf32, #tpu.memory_space<vmem>> -> memref<512xf32, #tpu.memory_space<vmem>>
          %dma_start3A_262 = arith.constant 0 : i32
          %dma_start3A_263 = tpu.memref_slice %arg5[%add3A_258, %dma_start3A_262] : memref<100000x512xf32, #tpu.memory_space<hbm>> -> memref<1x512xf32, #tpu.memory_space<hbm>>
          %dma_start3A_264 = tpu.memref_squeeze %dma_start3A_263 : memref<1x512xf32, #tpu.memory_space<hbm>> -> memref<512xf32, #tpu.memory_space<hbm>>
          %dma_start3A_265 = arith.constant 0 : i32
          %dma_start3A_266 = tpu.memref_slice %arg5[%add3A_258, %dma_start3A_265] : memref<100000x512xf32, #tpu.memory_space<hbm>> -> memref<1x512xf32, #tpu.memory_space<hbm>>
          %dma_start3A_267 = tpu.memref_squeeze %dma_start3A_266 : memref<1x512xf32, #tpu.memory_space<hbm>> -> memref<512xf32, #tpu.memory_space<hbm>>
          %dma_start3A_268 = arith.constant 0 : i32
          %dma_start3A_269 = tpu.memref_slice %arg6[%squeeze3A_255, %dma_start3A_268] : memref<48x512xf32, #tpu.memory_space<vmem>> -> memref<1x512xf32, #tpu.memory_space<vmem>>
          %dma_start3A_270 = tpu.memref_squeeze %dma_start3A_269 : memref<1x512xf32, #tpu.memory_space<vmem>> -> memref<512xf32, #tpu.memory_space<vmem>>
          tpu.enqueue_dma source(%dma_start3A_270 : memref<512xf32, #tpu.memory_space<vmem>>) target(%dma_start3A_267 : memref<512xf32, #tpu.memory_space<hbm>>) target_semaphore(%arg12 : memref<!tpu.dma_semaphore, #tpu.memory_space<semaphore_mem>>)
          %slice3A_271 = vector.extract_strided_slice %get3A_85 {offsets = [11], sizes = [1], strides = [1]} : vector<16xi32> to vector<1xi32>
          %squeeze3A_272 = vector.extract %slice3A_271[0] : i32 from vector<1xi32>
          %add3A_273 = arith.addi %mul3A_8, %add3A_83 : i32
          %add3A_274 = arith.constant 11 : i32
          %add3A_275 = arith.addi %add3A_273, %add3A_274 : i32
          %dma_start3A_276 = arith.constant 0 : i32
          %dma_start3A_277 = tpu.memref_slice %arg6[%squeeze3A_272, %dma_start3A_276] : memref<48x512xf32, #tpu.memory_space<vmem>> -> memref<1x512xf32, #tpu.memory_space<vmem>>
          %dma_start3A_278 = tpu.memref_squeeze %dma_start3A_277 : memref<1x512xf32, #tpu.memory_space<vmem>> -> memref<512xf32, #tpu.memory_space<vmem>>
          %dma_start3A_279 = arith.constant 0 : i32
          %dma_start3A_280 = tpu.memref_slice %arg5[%add3A_275, %dma_start3A_279] : memref<100000x512xf32, #tpu.memory_space<hbm>> -> memref<1x512xf32, #tpu.memory_space<hbm>>
          %dma_start3A_281 = tpu.memref_squeeze %dma_start3A_280 : memref<1x512xf32, #tpu.memory_space<hbm>> -> memref<512xf32, #tpu.memory_space<hbm>>
          %dma_start3A_282 = arith.constant 0 : i32
          %dma_start3A_283 = tpu.memref_slice %arg5[%add3A_275, %dma_start3A_282] : memref<100000x512xf32, #tpu.memory_space<hbm>> -> memref<1x512xf32, #tpu.memory_space<hbm>>
          %dma_start3A_284 = tpu.memref_squeeze %dma_start3A_283 : memref<1x512xf32, #tpu.memory_space<hbm>> -> memref<512xf32, #tpu.memory_space<hbm>>
          %dma_start3A_285 = arith.constant 0 : i32
          %dma_start3A_286 = tpu.memref_slice %arg6[%squeeze3A_272, %dma_start3A_285] : memref<48x512xf32, #tpu.memory_space<vmem>> -> memref<1x512xf32, #tpu.memory_space<vmem>>
          %dma_start3A_287 = tpu.memref_squeeze %dma_start3A_286 : memref<1x512xf32, #tpu.memory_space<vmem>> -> memref<512xf32, #tpu.memory_space<vmem>>
          tpu.enqueue_dma source(%dma_start3A_287 : memref<512xf32, #tpu.memory_space<vmem>>) target(%dma_start3A_284 : memref<512xf32, #tpu.memory_space<hbm>>) target_semaphore(%arg12 : memref<!tpu.dma_semaphore, #tpu.memory_space<semaphore_mem>>)
          %slice3A_288 = vector.extract_strided_slice %get3A_85 {offsets = [12], sizes = [1], strides = [1]} : vector<16xi32> to vector<1xi32>
          %squeeze3A_289 = vector.extract %slice3A_288[0] : i32 from vector<1xi32>
          %add3A_290 = arith.addi %mul3A_8, %add3A_83 : i32
          %add3A_291 = arith.constant 12 : i32
          %add3A_292 = arith.addi %add3A_290, %add3A_291 : i32
          %dma_start3A_293 = arith.constant 0 : i32
          %dma_start3A_294 = tpu.memref_slice %arg6[%squeeze3A_289, %dma_start3A_293] : memref<48x512xf32, #tpu.memory_space<vmem>> -> memref<1x512xf32, #tpu.memory_space<vmem>>
          %dma_start3A_295 = tpu.memref_squeeze %dma_start3A_294 : memref<1x512xf32, #tpu.memory_space<vmem>> -> memref<512xf32, #tpu.memory_space<vmem>>
          %dma_start3A_296 = arith.constant 0 : i32
          %dma_start3A_297 = tpu.memref_slice %arg5[%add3A_292, %dma_start3A_296] : memref<100000x512xf32, #tpu.memory_space<hbm>> -> memref<1x512xf32, #tpu.memory_space<hbm>>
          %dma_start3A_298 = tpu.memref_squeeze %dma_start3A_297 : memref<1x512xf32, #tpu.memory_space<hbm>> -> memref<512xf32, #tpu.memory_space<hbm>>
          %dma_start3A_299 = arith.constant 0 : i32
          %dma_start3A_300 = tpu.memref_slice %arg5[%add3A_292, %dma_start3A_299] : memref<100000x512xf32, #tpu.memory_space<hbm>> -> memref<1x512xf32, #tpu.memory_space<hbm>>
          %dma_start3A_301 = tpu.memref_squeeze %dma_start3A_300 : memref<1x512xf32, #tpu.memory_space<hbm>> -> memref<512xf32, #tpu.memory_space<hbm>>
          %dma_start3A_302 = arith.constant 0 : i32
          %dma_start3A_303 = tpu.memref_slice %arg6[%squeeze3A_289, %dma_start3A_302] : memref<48x512xf32, #tpu.memory_space<vmem>> -> memref<1x512xf32, #tpu.memory_space<vmem>>
          %dma_start3A_304 = tpu.memref_squeeze %dma_start3A_303 : memref<1x512xf32, #tpu.memory_space<vmem>> -> memref<512xf32, #tpu.memory_space<vmem>>
          tpu.enqueue_dma source(%dma_start3A_304 : memref<512xf32, #tpu.memory_space<vmem>>) target(%dma_start3A_301 : memref<512xf32, #tpu.memory_space<hbm>>) target_semaphore(%arg12 : memref<!tpu.dma_semaphore, #tpu.memory_space<semaphore_mem>>)
          %slice3A_305 = vector.extract_strided_slice %get3A_85 {offsets = [13], sizes = [1], strides = [1]} : vector<16xi32> to vector<1xi32>
          %squeeze3A_306 = vector.extract %slice3A_305[0] : i32 from vector<1xi32>
          %add3A_307 = arith.addi %mul3A_8, %add3A_83 : i32
          %add3A_308 = arith.constant 13 : i32
          %add3A_309 = arith.addi %add3A_307, %add3A_308 : i32
          %dma_start3A_310 = arith.constant 0 : i32
          %dma_start3A_311 = tpu.memref_slice %arg6[%squeeze3A_306, %dma_start3A_310] : memref<48x512xf32, #tpu.memory_space<vmem>> -> memref<1x512xf32, #tpu.memory_space<vmem>>
          %dma_start3A_312 = tpu.memref_squeeze %dma_start3A_311 : memref<1x512xf32, #tpu.memory_space<vmem>> -> memref<512xf32, #tpu.memory_space<vmem>>
          %dma_start3A_313 = arith.constant 0 : i32
          %dma_start3A_314 = tpu.memref_slice %arg5[%add3A_309, %dma_start3A_313] : memref<100000x512xf32, #tpu.memory_space<hbm>> -> memref<1x512xf32, #tpu.memory_space<hbm>>
          %dma_start3A_315 = tpu.memref_squeeze %dma_start3A_314 : memref<1x512xf32, #tpu.memory_space<hbm>> -> memref<512xf32, #tpu.memory_space<hbm>>
          %dma_start3A_316 = arith.constant 0 : i32
          %dma_start3A_317 = tpu.memref_slice %arg5[%add3A_309, %dma_start3A_316] : memref<100000x512xf32, #tpu.memory_space<hbm>> -> memref<1x512xf32, #tpu.memory_space<hbm>>
          %dma_start3A_318 = tpu.memref_squeeze %dma_start3A_317 : memref<1x512xf32, #tpu.memory_space<hbm>> -> memref<512xf32, #tpu.memory_space<hbm>>
          %dma_start3A_319 = arith.constant 0 : i32
          %dma_start3A_320 = tpu.memref_slice %arg6[%squeeze3A_306, %dma_start3A_319] : memref<48x512xf32, #tpu.memory_space<vmem>> -> memref<1x512xf32, #tpu.memory_space<vmem>>
          %dma_start3A_321 = tpu.memref_squeeze %dma_start3A_320 : memref<1x512xf32, #tpu.memory_space<vmem>> -> memref<512xf32, #tpu.memory_space<vmem>>
          tpu.enqueue_dma source(%dma_start3A_321 : memref<512xf32, #tpu.memory_space<vmem>>) target(%dma_start3A_318 : memref<512xf32, #tpu.memory_space<hbm>>) target_semaphore(%arg12 : memref<!tpu.dma_semaphore, #tpu.memory_space<semaphore_mem>>)
          %slice3A_322 = vector.extract_strided_slice %get3A_85 {offsets = [14], sizes = [1], strides = [1]} : vector<16xi32> to vector<1xi32>
          %squeeze3A_323 = vector.extract %slice3A_322[0] : i32 from vector<1xi32>
          %add3A_324 = arith.addi %mul3A_8, %add3A_83 : i32
          %add3A_325 = arith.constant 14 : i32
          %add3A_326 = arith.addi %add3A_324, %add3A_325 : i32
          %dma_start3A_327 = arith.constant 0 : i32
          %dma_start3A_328 = tpu.memref_slice %arg6[%squeeze3A_323, %dma_start3A_327] : memref<48x512xf32, #tpu.memory_space<vmem>> -> memref<1x512xf32, #tpu.memory_space<vmem>>
          %dma_start3A_329 = tpu.memref_squeeze %dma_start3A_328 : memref<1x512xf32, #tpu.memory_space<vmem>> -> memref<512xf32, #tpu.memory_space<vmem>>
          %dma_start3A_330 = arith.constant 0 : i32
          %dma_start3A_331 = tpu.memref_slice %arg5[%add3A_326, %dma_start3A_330] : memref<100000x512xf32, #tpu.memory_space<hbm>> -> memref<1x512xf32, #tpu.memory_space<hbm>>
          %dma_start3A_332 = tpu.memref_squeeze %dma_start3A_331 : memref<1x512xf32, #tpu.memory_space<hbm>> -> memref<512xf32, #tpu.memory_space<hbm>>
          %dma_start3A_333 = arith.constant 0 : i32
          %dma_start3A_334 = tpu.memref_slice %arg5[%add3A_326, %dma_start3A_333] : memref<100000x512xf32, #tpu.memory_space<hbm>> -> memref<1x512xf32, #tpu.memory_space<hbm>>
          %dma_start3A_335 = tpu.memref_squeeze %dma_start3A_334 : memref<1x512xf32, #tpu.memory_space<hbm>> -> memref<512xf32, #tpu.memory_space<hbm>>
          %dma_start3A_336 = arith.constant 0 : i32
          %dma_start3A_337 = tpu.memref_slice %arg6[%squeeze3A_323, %dma_start3A_336] : memref<48x512xf32, #tpu.memory_space<vmem>> -> memref<1x512xf32, #tpu.memory_space<vmem>>
          %dma_start3A_338 = tpu.memref_squeeze %dma_start3A_337 : memref<1x512xf32, #tpu.memory_space<vmem>> -> memref<512xf32, #tpu.memory_space<vmem>>
          tpu.enqueue_dma source(%dma_start3A_338 : memref<512xf32, #tpu.memory_space<vmem>>) target(%dma_start3A_335 : memref<512xf32, #tpu.memory_space<hbm>>) target_semaphore(%arg12 : memref<!tpu.dma_semaphore, #tpu.memory_space<semaphore_mem>>)
          %slice3A_339 = vector.extract_strided_slice %get3A_85 {offsets = [15], sizes = [1], strides = [1]} : vector<16xi32> to vector<1xi32>
          %squeeze3A_340 = vector.extract %slice3A_339[0] : i32 from vector<1xi32>
          %add3A_341 = arith.addi %mul3A_8, %add3A_83 : i32
          %add3A_342 = arith.constant 15 : i32
          %add3A_343 = arith.addi %add3A_341, %add3A_342 : i32
          %dma_start3A_344 = arith.constant 0 : i32
          %dma_start3A_345 = tpu.memref_slice %arg6[%squeeze3A_340, %dma_start3A_344] : memref<48x512xf32, #tpu.memory_space<vmem>> -> memref<1x512xf32, #tpu.memory_space<vmem>>
          %dma_start3A_346 = tpu.memref_squeeze %dma_start3A_345 : memref<1x512xf32, #tpu.memory_space<vmem>> -> memref<512xf32, #tpu.memory_space<vmem>>
          %dma_start3A_347 = arith.constant 0 : i32
          %dma_start3A_348 = tpu.memref_slice %arg5[%add3A_343, %dma_start3A_347] : memref<100000x512xf32, #tpu.memory_space<hbm>> -> memref<1x512xf32, #tpu.memory_space<hbm>>
          %dma_start3A_349 = tpu.memref_squeeze %dma_start3A_348 : memref<1x512xf32, #tpu.memory_space<hbm>> -> memref<512xf32, #tpu.memory_space<hbm>>
          %dma_start3A_350 = arith.constant 0 : i32
          %dma_start3A_351 = tpu.memref_slice %arg5[%add3A_343, %dma_start3A_350] : memref<100000x512xf32, #tpu.memory_space<hbm>> -> memref<1x512xf32, #tpu.memory_space<hbm>>
          %dma_start3A_352 = tpu.memref_squeeze %dma_start3A_351 : memref<1x512xf32, #tpu.memory_space<hbm>> -> memref<512xf32, #tpu.memory_space<hbm>>
          %dma_start3A_353 = arith.constant 0 : i32
          %dma_start3A_354 = tpu.memref_slice %arg6[%squeeze3A_340, %dma_start3A_353] : memref<48x512xf32, #tpu.memory_space<vmem>> -> memref<1x512xf32, #tpu.memory_space<vmem>>
          %dma_start3A_355 = tpu.memref_squeeze %dma_start3A_354 : memref<1x512xf32, #tpu.memory_space<vmem>> -> memref<512xf32, #tpu.memory_space<vmem>>
          tpu.enqueue_dma source(%dma_start3A_355 : memref<512xf32, #tpu.memory_space<vmem>>) target(%dma_start3A_352 : memref<512xf32, #tpu.memory_space<hbm>>) target_semaphore(%arg12 : memref<!tpu.dma_semaphore, #tpu.memory_space<semaphore_mem>>)
        }
        %scan3A_77 = arith.constant 5 : i32
      } else {
      }
    }
    %scan3A_41 = arith.constant 21 : i32
    return
  }
}

</mosaic_0001>

<sc_bundles>
// kernel: kernel.3.cloned.1.call-start
scs
__scs_entry_jumppad:
0x0: {  	(pc) =	sbr.rel $0x88, $3  }
0x1: {  	(tag) =	ssettag $0x0;
	lr =	simm.s32 $0x1  }
0x2: {  	[smem:$0x3F9E] =	sst lr;
	_ =	strace $0xD0000000  }
0x3: {  	_ = 	snop  }
0x4: {  	_ = 	snop  }
0x5: {  	_ = 	snop  }
0x6: {  	_ = 	snop  }
0x7: {  	_ = 	snop  }
__scs_overlays_trampoline_lowered:
0x8: {  	[smem:$0x3FAD] =	sst s0  }
0x9: {  	[smem:$0x3FAE] =	sst s1  }
0xa: {  	[smem:$0x3FAF] =	sst s2  }
0xb: {  	[smem:$0x3FB0] =	sst s3  }
0xc: {  	[smem:$0x3FB1] =	sst s4  }
0xd: {  	[smem:$0x3FB2] =	sst s5  }
0xe: {  	[smem:$0x3FB3] =	sst s6  }
0xf: {  	[smem:$0x3FB4] =	sst s7  }
0x10: {  	[smem:$0x3FB5] =	sst s8  }
0x11: {  	[smem:$0x3FB6] =	sst s9;
	s0 =	simm.s32 @!p0 $0x0  }
0x12: {  	s1 =	sld [smem:$0x3F9C];
	s0 =	simm.s32 @p0 $0x1  }
0x13: {  	[smem:$0x3FB7] =	sst s0;
	s0 =	simm.s32 @!p1 $0x0  }
0x14: {  	s2 =	sld [smem:$0x3F9B];
	s0 =	simm.s32 @p1 $0x1  }
0x15: {  	[smem:$0x3FB8] =	sst s0;
	s0 =	simm.s32 @!p2 $0x0  }
0x16: {  	s3 =	sld [smem:$0x3FDB];
	s0 =	simm.s32 @p2 $0x1  }
0x17: {  	s4 =	simm.s32 $0x1BF5;
	[smem:$0x3FBA] =	sst s0  }
0x18: {  	s0 =	sld [smem:$0x3F9D];
	_ =	swait.ge [sflag:s4], $0x0  }
0x19: {  	s7 =	sld [smem:$0x3F9E]  }
0x1a: {  	s8 =	sadd.s32 $0xFFFFE003, lr  }
0x1b: {  	s9 =	sadd.s32 $0xFFFFFEF7, lr;
	s5 =	simm.s32 $0xFFFFFFFF;
	p2 =	slt.u32 s8, $0xFFFFF086  }
0x1c: {  	p1 =	slt.u32 s9, $0xF7A;
	s5 =	simm.s32 @!p2 $0x0  }
0x1d: {  	s5 =	simm.s32 @p1 $0x1;
	p0 =	seq.s32 s7, s2  }
0x1e: {  	s7 =	smul.u32 @!p0 $0xF7A, s2;
	p2 =	seq.s32 @!p0 s5, $0x0  }
0x1f: {  	s9 =	smul.u32 $0xF7A, s1;
	s8 =	simm.s32 @!p0 $0x1BF5;
	p2 =	por !p2, p0  }
0x20: {  	[sflag:s8] =	ssyncset.s32 @!p0 $0xFFFFF086;
	s6 =	sadd.s32 @!p0 s3, s7;
	s7 =	simm.s32 @!p0 $0x108  }
0x21: {  	s3 =	sadd.s32 s3, s9;
	s6 =	sadd.s32 @!p0 $0x88, s6;
	s7 =	simm.s32 @p2 $0x1082  }
0x22: {  	[simem:s7], [sflag:s8] =	dma.local @!p0 [hbm:s6], $0xF7A  }
0x23: {  	s9 =	sor.u32 $0xD0000000, s2;
	s6 =	simm.s32 $0x108;
	_ =	swait.ge @!p0 [sflag:s8], $0x0  }
0x24: {  	s3 =	sadd.s32 $0x88, s3;
	s6 =	simm.s32 @!p1 $0x1082;
	[sflag:s4] =	ssyncset.s32 $0xFFFFF086  }
0x25: {  	[simem:s6], [sflag:s4] =	dma.local [hbm:s3], $0xF7A  }
0x26: {  	[smem:$0x3F9E] =	sst s1;
	(tag) =	ssettag s2;
	_ =	strace s9  }
0x27: {  	s1 =	sld [smem:$0x3FAE]  }
0x28: {  	s2 =	sld [smem:$0x3FAF]  }
0x29: {  	s4 =	sld [smem:$0x3FB1]  }
0x2a: {  	p0 =	seq.s32 s5, $0x0;
	s5 =	sld [smem:$0x3FB2]  }
0x2b: {  	s6 =	sld [smem:$0x3FB3]  }
0x2c: {  	s7 =	sld [smem:$0x3FB4]  }
0x2d: {  	s3 =	simm.s32 $0x108;
	s8 =	sld [smem:$0x3FB5]  }
0x2e: {  	s3 =	simm.s32 @!p0 $0x1082;
	s9 =	sld [smem:$0x3FB6]  }
0x2f: {  	lr =	sadd.s32 s0, s3;
	s0 =	sld [smem:$0x3FAD]  }
0x30: {  	s3 =	sld [smem:$0x3FB0]  }
0x31: {  	[smem:$0x3FB9] =	sst s10  }
0x32: {  	s10 =	sld [smem:$0x3FB7];
	_ =	sdelay $0x3  }
0x33: {  	p0 =	seq.s32 s10, $0x1;
	s10 =	sld [smem:$0x3FB9];
	_ =	sdelay $0x3  }
0x34: {  	[smem:$0x3FB9] =	sst s10  }
0x35: {  	s10 =	sld [smem:$0x3FB8];
	_ =	sdelay $0x3  }
0x36: {  	p1 =	seq.s32 s10, $0x1;
	s10 =	sld [smem:$0x3FB9];
	_ =	sdelay $0x3  }
0x37: {  	[smem:$0x3FB9] =	sst s10  }
0x38: {  	s10 =	sld [smem:$0x3FBA]  }
0x39: {  	_ = 	snop;
	(pc) =	sbr.ind lr, $3  }
0x3a: {  	_ = 	snop  }
0x3b: {  	_ = 	snop  }
0x3c: {  	p2 =	seq.s32 s10, $0x1;
	s10 =	sld [smem:$0x3FB9]  }
0x3d: {  	_ =	shalt  }
0x3e: {  	_ =	shalt  }
0x3f: {  	_ =	shalt  }
0x40: {  	_ =	shalt  }
0x41: {  	_ =	shalt  }
0x42: {  	_ =	shalt  }
0x43: {  	_ =	shalt  }
0x44: {  	_ =	shalt  }
0x45: {  	_ =	shalt  }
0x46: {  	_ =	shalt  }
0x47: {  	_ =	shalt  }
0x48: {  	_ =	shalt  }
0x49: {  	_ =	shalt  }
0x4a: {  	_ =	shalt  }
0x4b: {  	_ =	shalt  }
0x4c: {  	_ =	shalt  }
0x4d: {  	_ =	shalt  }
0x4e: {  	_ =	shalt  }
0x4f: {  	_ =	shalt  }
0x50: {  	_ =	shalt  }
0x51: {  	_ =	shalt  }
0x52: {  	_ =	shalt  }
0x53: {  	_ =	shalt  }
0x54: {  	_ =	shalt  }
0x55: {  	_ =	shalt  }
0x56: {  	_ =	shalt  }
0x57: {  	_ =	shalt  }
0x58: {  	_ =	shalt  }
0x59: {  	_ =	shalt  }
0x5a: {  	_ =	shalt  }
0x5b: {  	_ =	shalt  }
0x5c: {  	_ =	shalt  }
0x5d: {  	_ =	shalt  }
0x5e: {  	_ =	shalt  }
0x5f: {  	_ =	shalt  }
0x60: {  	_ =	shalt  }
0x61: {  	_ =	shalt  }
0x62: {  	_ =	shalt  }
0x63: {  	_ =	shalt  }
0x64: {  	_ =	shalt  }
0x65: {  	_ =	shalt  }
0x66: {  	_ =	shalt  }
0x67: {  	_ =	shalt  }
0x68: {  	_ =	shalt  }
0x69: {  	_ =	shalt  }
0x6a: {  	_ =	shalt  }
0x6b: {  	_ =	shalt  }
0x6c: {  	_ =	shalt  }
0x6d: {  	_ =	shalt  }
0x6e: {  	_ =	shalt  }
0x6f: {  	_ =	shalt  }
0x70: {  	_ =	shalt  }
0x71: {  	_ =	shalt  }
0x72: {  	_ =	shalt  }
0x73: {  	_ =	shalt  }
0x74: {  	_ =	shalt  }
0x75: {  	_ =	shalt  }
0x76: {  	_ =	shalt  }
0x77: {  	_ =	shalt  }
0x78: {  	_ =	shalt  }
0x79: {  	_ =	shalt  }
0x7a: {  	_ =	shalt  }
0x7b: {  	_ =	shalt  }
0x7c: {  	_ =	shalt  }
0x7d: {  	_ =	shalt  }
0x7e: {  	_ =	shalt  }
0x7f: {  	_ =	shalt  }
0x80: {  	_ =	shalt  }
0x81: {  	_ =	shalt  }
0x82: {  	_ =	shalt  }
0x83: {  	_ =	shalt  }
0x84: {  	_ =	shalt  }
0x85: {  	_ =	shalt  }
0x86: {  	_ =	shalt  }
0x87: {  	_ =	shalt  }
.Lfunc_end0:
.L_simem_size_0:
called_computation_lowered:
.L_overlay_start_0:
0x88: {  	s2 =	sld [smem:$0x3FD9]  }
0x89: {  	s3 =	sld [smem:$0x3FFE];
	_ =	sdelay $0x1  }
0x8a: {  	s1 =	srdreg.scid  }
0x8b: {  	s0 =	sand.u32 $0x1, s1  }
0x8c: {  	s17 =	sshll.u32 s0, $0xA;
	s2 =	sadd.s32 s3, s2  }
0x8d: {  	s2 =	sadd.s32 s2, s17  }
0x8e: {  	[smem:$0x3FC5] =	sst s2  }
0x8f: {  	_ = 	snop  }
0x90: {  	s2 =	sld [smem:$0x3FD0];
	(tm) =	ssettm $0x1  }
0x91: {  	s18 =	sld [smem:$0x3FFB];
	_ =	sdelay $0x3  }
0x92: {  	_ =	strace s18  }
0x93: {  	s3 =	sld [smem:$0x3FFC];
	_ =	sdelay $0x3  }
0x94: {  	_ =	strace s3  }
0x95: {  	s3 =	sld [smem:$0x3FFD];
	_ =	sdelay $0x3  }
0x96: {  	_ =	strace s3  }
0x97: {  	_ =	strace $0x8FFFFFFF  }
0x98: {  	s19 =	sld [smem:$0x3FDB];
	_ =	sdelay $0x1  }
0x99: {  	s4 =	simm.s32 $_scs_section_size  }
0x9a: {  	s5 =	simm.s32 $_size__tile_overlayer_lowered;
	s6 =	simm.s32 $_tile_overlayer_lowered  }
0x9b: {  	s22 =	simm.s32 $0x1BFF;
	s21 =	sshll.u32 s6, $0x1;
	s3 =	sadd.s32 s4, s19  }
0x9c: {  	s7 =	simm.s32 $0x0;
	s20 =	sshll.u32 s5, $0x1;
	s5 =	sadd.s32 s21, s3  }
0x9d: {  	[timem:s7], [sflag:s22] =	dma.local [hbm:s5], s20  }
0x9e: {  	_ =	swait.ge [sflag:s22], s20  }
0x9f: {  	s4 =	ssub.s32 $0x0, s20;
	[sflag:s22] =	ssyncset.done $0x0  }
0xa0: {  	[sflag:s22] =	ssyncadd.s32 s4;
	_ =	sdelay $0x1  }
0xa1: {  	s23 =	simm.s32 $0x1B8B  }
0xa2: {  	_ =	swait.ge [sflag:s23], $0x1  }
0xa3: {  	[sflag:s23] =	ssyncset.done $0x0  }
0xa4: {  	s25 =	simm.s32 $0x1B8E;
	s24 =	sld [smem:$0x3FFE];
	[sflag:s23] =	ssyncadd.s32 $0xFFFFFFFF  }
0xa5: {  	s26 =	simm.s32 $execute0_lowered;
	[smem:$0x3FD2] =	sst s25  }
0xa6: {  	s5 =	sshll.u32 s26, $0x1;
	_ =	strace $0x80000046;
	[dreg:$0x1] =	wrdreg $0xFFFFFFFF  }
0xa7: {  	s28 =	simm.s32 $_size_execute0_lowered;
	s3 =	sadd.s32 s3, s5;
	[dreg:$0x0] =	wrdreg $0x0  }
0xa8: {  	s5 =	sshll.u32 s28, $0x1;
	[dreg:$0x2] =	wrdreg s3  }
0xa9: {  	[dreg:$0x3] =	wrdreg s5  }
0xaa: {  	[dreg:$0x4] =	wrdreg $0xC0  }
0xab: {  	_ =	task [dreg:s7], $0x5FFFF  }
0xac: {  	[dreg:$0x1] =	wrdreg $0xFFFFFFFF  }
0xad: {  	[dreg:$0x0] =	wrdreg $0x60  }
0xae: {  	[dreg:$0x2] =	wrdreg s24  }
0xaf: {  	[dreg:$0x3] =	wrdreg s2  }
0xb0: {  	[dreg:$0x4] =	wrdreg $0x9  }
0xb1: {  	_ =	task.clear_ibuf [dreg:s7], $0x5FFFF;
	_ =	strace $0x90000046  }
0xb2: {  	s29 =	simm.s32 $0x9;
	_ =	strace $0x80000048  }
0xb3: {  	_ =	swait.ge [sflag:s29], $0x1  }
0xb4: {  	[sflag:s29] =	ssyncadd.s32 $0xFFFFFFFF  }
0xb5: {  	_ =	strace $0x90000048  }
0xb6: {  	_ =	sfence  }
0xb7: {  	s30 =	sld [smem:$0x0];
	_ =	sdelay $0x2  }
0xb8: {  	s31 =	sshll.u32 s1, $0xD;
	s1 =	sshrl.u32 s1, $0x2  }
0xb9: {  	s3 =	sand.u32 $0x4000, s31;
	s1 =	sadd.s32 s1, s30  }
0xba: {  	s0 =	sor.u32 s3, s0;
	s1 =	sshll.u32 s1, $0x11  }
0xbb: {  	s0 =	sor.u32 s1, s0  }
0xbc: {  	s0 =	sadd.s32 $0x8F2B, s0  }
0xbd: {  	[sflag:s0] =	ssyncadd.remote.s32 $0x1  }
0xbe: {  	_ =	sfence.sel $0xFFFF  }
0xbf: {  	[dreg:$0x0] =	wrdreg $0xFFFFFFFF;
	(pc) =	sbr.abs _section_cstart, $3  }
0xc0: {  	[dreg:$0x1] =	wrdreg $0xFFFFFFFF  }
0xc1: {  	_ =	task.clear_ibuf [dreg:s7], $0x2FFFF;
	_ =	strace $0x9FFFFFFF  }
0xc2: {  	(tm) =	ssettm $0x7FFFFFFF  }
0xc3: {  	_ =	shalt  }
tec
execute0_lowered:
.L_overlay_start_1:
0x0: {  	(tag) =	ssettag $0x1  }
0x1: {  	s0 =	srdreg.scid  }
0x2: {  	s10 =	stileid.u32;
	s3 =	rddreg [dreg:$0x0]  }
0x3: {  	s9 =	rddreg [dreg:$0x1];
	s12 =	simm.s32 $0x1;
	s13 =	simm.s32 $0x2  }
0x4: {  	s0 =	sand.u32 $0x1, s0;
	s1 =	sshll.u32 s10, $0x1;
	s6 =	smul.u32 $0x4E, s10  }
0x5: {  	s14 =	simm.s32 $0x3;
	s1 =	sor.u32 s0, s1;
	s7 =	smul.u32 $0x27, s0  }
0x6: {  	p0 =	seq.s32 s10, $0x0;
	s0 =	ssub.s32 $0x2, s0;
	s2 =	smul.u32 $0x27, s1  }
0x7: {  	s4 =	smin.u32 s1, $0x2;
	s1 =	smul.u32 $0xC00, s1;
	s26 =	sshrl.u32 s0, $0x1  }
0x8: {  	s6 =	sadd.s32 s7, s6;
	s0 =	ssub.s32 s0, s26;
	s2 =	sadd.s32 s4, s2  }
0x9: {  	s1 =	sadd.s32 s1, s3;
	s4 =	sadd.s32 s4, s6;
	s5 =	smul.u32 $0x50, s2  }
0xa: {  	s0 =	smax.u32 s0, $0x1;
	s2 =	simm.s32 $0x0;
	s28 =	smul.u32 $0x1400, s4  }
0xb: {  	s1 =	sadd.s32 $0x6C00, s1;
	[smem:$0x7FF] =	sst s2;
	s5 =	sshrl.u32 s5, $0x3  }
.Ltmp0:
0xc: {  	_ =	strace $0x80000047;
	[dreg:$0x3] =	wrdreg s1;
	(pc) =	sbr.rel .LBB2_1-.Ltmp0, $4  }
0xd: {  	[dreg:$0x6] =	wrdreg s0;
	s31 =	sadd.s32 s28, s9;
	s8 =	sadd.s32 s5, s3  }
0xe: {  	s3 =	simm.s32 $0x28;
	[dreg:$0x7] =	wrdreg s31;
	s29 =	sadd.s32 $0x3800, s8  }
0xf: {  	s3 =	simm.s32 @!p0 $0x27;
	s30 =	sadd.s32 $0x400, s8;
	[dreg:$0x4] =	wrdreg s29  }
0x10: {  	s15 =	simm.s32 $0x0;
	[dreg:$0x5] =	wrdreg s30;
	s7 =	sadd.s32 $0x2, s3  }
.LBB2_13:
0x11: {  	s15 =	sadd.s32 $0x1, s15;
	s0 =	rddreg [dreg:$0x6]  }
0x12: {  	p0 =	sne.s32 s15, s0  }
.Ltmp1:
0x13: {  	_ = 	snop;
	(pc) =	sbr.rel @!p0 .LBB2_14-.Ltmp1, $1  }
0x14: {  	_ =	sdelay $0x3  }
.LBB2_1:
0x15: {  	s0 =	rddreg [dreg:$0x3]  }
0x16: {  	[tilespmem:s2], [sflag:$0x3] =	stream.linear.gather [hbm4b:s0+s2], $0x6000, $0x38;
	[tilespmem:$0x8580] =	vst v63  }
0x17: {  	s29 =	rddreg [dreg:$0x4];
	s1 =	simm.s32 $0x6000  }
0x18: {  	[tilespmem:s1], [sflag:$0x1] =	stream.linear.gather [hbm4b:s29+s2], $0xC80, $0x38;
	[tilespmem:$0x8580] =	vst v63  }
0x19: {  	s30 =	rddreg [dreg:$0x5];
	s31 =	simm.s32 $0x6C80  }
0x1a: {  	[tilespmem:s31], [sflag:$0x2] =	stream.linear.gather [hbm4b:s30+s2], $0xC80, $0x38;
	[tilespmem:$0x8580] =	vst v63  }
0x1b: {  	_ =	swait.ge [sflag:s12], $0xC80  }
0x1c: {  	[sflag:s12] =	ssyncset.done $0x0  }
0x1d: {  	[sflag:s12] =	ssyncadd.s32 $0xFFFFF380  }
0x1e: {  	_ =	swait.ge [sflag:s13], $0xC80  }
0x1f: {  	[sflag:s13] =	ssyncset.done $0x0  }
0x20: {  	s0 =	simm.s32 $0x0;
	[sflag:s13] =	ssyncadd.s32 $0xFFFFF380  }
0x21: {  	v0 =	vld [tilespmem:s0+$0x6C80]  }
0x22: {  	s1 =	simm.s32 $0x40;
	v1 =	vld [tilespmem:s0+$0x6000]  }
.LBB2_2:
0x23: {  	p0 =	sne.s32 s1, $0x31C0  }
.Ltmp2:
0x24: {  	_ = 	snop;
	(pc) =	sbr.rel @p0 .LBB2_2-.Ltmp2, $4  }
0x25: {  	_ = 	snop  }
0x26: {  	s16 =	sshra.s32 s1, $0x2;
	s1 =	sadd.s32 $0x40, s1;
	vm0 =	veq.s32 v0, $0x0  }
0x27: {  	v0 =	vld [tilespmem:s16+$0x6C80];
	v2 =	vsel vm0, $0x28, v1  }
0x28: {  	v1 =	vld [tilespmem:s16+$0x6000];
	[tilespmem:s0+$0x7900] =	vst v2;
	s0 =	smov.u32 s16  }
0x29: {  	_ =	sdelay $0x2  }
0x2a: {  	vm0 =	veq.s32 v0, $0x0  }
.Ltmp3:
0x2b: {  	v0 =	vsel vm0, $0x28, v1;
	(pc) =	sbr.rel .LBB2_4-.Ltmp3, $4  }
0x2c: {  	[tilespmem:s0+$0x7900] =	vst v0  }
0x2d: {  	_ =	swait.ge [sflag:s14], $0x6000  }
0x2e: {  	s16 =	simm.s32 $0x0;
	s17 =	simm.s32 $0x7900;
	[sflag:s14] =	ssyncset.done $0x0  }
0x2f: {  	s18 =	simm.s32 $0x7950;
	s19 =	rddreg [dreg:$0x7];
	[sflag:s14] =	ssyncadd.s32 $0xFFFFA000  }
.LBB2_12:
0x30: {  	s16 =	sadd.s32 $0x1, s16  }
0x31: {  	p0 =	sne.s32 s16, $0x15  }
.Ltmp4:
0x32: {  	_ = 	snop;
	(pc) =	sbr.rel @!p0 .LBB2_13-.Ltmp4, $2  }
0x33: {  	_ =	sdelay $0x2  }
0x34: {  	s17 =	sadd.s32 $0xA0, s17;
	s19 =	sadd.s32 $0x2800, s19;
	s18 =	sadd.s32 $0xA0, s18  }
.LBB2_4:
0x35: {  	s20 =	sshll.u32 s16, $0x1;
	p0 =	seq.s32 s16, $0x0  }
0x36: {  	p1 =	sge.u32 @!p0 s20, s7;
	p2 =	sge.u32 s20, s3  }
.Ltmp5:
0x37: {  	p1 =	por p1, p0;
	(pc) =	sbr.rel @p2 .LBB2_8-.Ltmp5, $4  }
0x38: {  	s0 =	simm.s32 @!p1 $0x1  }
0x39: {  	_ =	swait.ge @!p1 [sflag:s0], $0xA000  }
0x3a: {  	[sflag:s0] =	ssyncset.done @!p1 $0x0  }
0x3b: {  	[sflag:s0] =	ssyncadd.s32 @!p1 $0xFFFF6000  }
0x3c: {  	v0 =	vld [tilespmem:s17+$0x0];
	_ =	sdelay $0x4  }
0x3d: {  	(v2sf) =	vpush v0, $0x2  }
0x3e: {  	(v2sf) =	vpush v0, $0x0  }
0x3f: {  	(v2sf) =	vpush v0, $0x1;
	_ =	sdelay $0x8  }
0x40: {  	s21 =	sadd.s32 $0x0, s19  }
0x41: {  	s0 =	sadd.s32 $0x100, s21;
	s1 =	sadd.s32 $0x180, s21;
	(v2sf) =	vpush v0, $0x3  }
0x42: {  	s26 =	sadd.s32 $0x1E0, s21;
	s28 =	sadd.s32 $0x90, s21;
	s24 =	sadd.s32 $0x320, s21  }
0x43: {  	s29 =	sadd.s32 $0x110, s21;
	s25 =	sadd.s32 $0x2A0, s21;
	s22 =	sadd.s32 $0x2D0, s21  }
0x44: {  	s31 =	sadd.s32 $0x80, s21;
	s23 =	sadd.s32 $0x330, s21;
	s30 =	spop (v2sf)  }
0x45: {  	s10 =	spop (v2sf);
	s11 =	sshll.u32 s30, $0x9;
	s30 =	sshll.u32 s30, $0x7  }
0x46: {  	s4 =	sshll.u32 s10, $0x9;
	s10 =	sshll.u32 s10, $0x7;
	s5 =	spop (v2sf)  }
0x47: {  	(v2sf) =	vpush v0, $0x4;
	s8 =	sand.u32 $0x380, s30;
	s4 =	sand.u32 $0xFFFFF000, s4;
	s10 =	sand.u32 $0x380, s10  }
0x48: {  	s6 =	sshll.u32 s5, $0x9;
	s5 =	sshll.u32 s5, $0x7;
	s4 =	sor.u32 s10, s4  }
0x49: {  	[hbm4b:s21+s2] =	stream.linear.scatter [tilespmem:s4], [sflag:$0x1], $0x80, $0x38;
	[tilespmem:$0x8580] =	vst v63  }
0x4a: {  	s5 =	sand.u32 $0x380, s5;
	s6 =	sand.u32 $0xFFFFF000, s6;
	s9 =	sor.u32 $0x400, s4  }
0x4b: {  	[hbm4b:s31+s2] =	stream.linear.scatter [tilespmem:s9], [sflag:$0x1], $0x80, $0x38;
	[tilespmem:$0x8580] =	vst v63  }
0x4c: {  	s10 =	sand.u32 $0xFFFFF000, s11;
	s5 =	sor.u32 s5, s6;
	s9 =	sor.u32 $0x800, s4  }
0x4d: {  	(v2sf) =	vpush v0, $0x5;
	[hbm4b:s0+s2] =	stream.linear.scatter [tilespmem:s9], [sflag:$0x1], $0x80, $0x38;
	[tilespmem:$0x8580] =	vst v63  }
0x4e: {  	s11 =	sadd.s32 $0x10, s21;
	s6 =	sor.u32 $0x400, s5;
	s4 =	sor.u32 $0xC00, s4  }
0x4f: {  	[hbm4b:s1+s2] =	stream.linear.scatter [tilespmem:s4], [sflag:$0x1], $0x80, $0x38;
	[tilespmem:$0x8580] =	vst v63  }
0x50: {  	s31 =	sor.u32 $0x800, s5;
	s0 =	sor.u32 s8, s10;
	s10 =	spop (v2sf)  }
0x51: {  	[hbm4b:s11+s2] =	stream.linear.scatter [tilespmem:s5], [sflag:$0x1], $0x80, $0x38;
	[tilespmem:$0x8580] =	vst v63  }
0x52: {  	s9 =	sadd.s32 $0x190, s21;
	s4 =	sshll.u32 s10, $0x9;
	s1 =	sshll.u32 s10, $0x7  }
0x53: {  	[hbm4b:s28+s2] =	stream.linear.scatter [tilespmem:s6], [sflag:$0x1], $0x80, $0x38;
	[tilespmem:$0x8580] =	vst v63  }
0x54: {  	s1 =	sand.u32 $0x380, s1;
	s4 =	sand.u32 $0xFFFFF000, s4;
	s5 =	sor.u32 $0xC00, s5  }
0x55: {  	[hbm4b:s29+s2] =	stream.linear.scatter [tilespmem:s31], [sflag:$0x1], $0x80, $0x38;
	[tilespmem:$0x8580] =	vst v63  }
0x56: {  	s1 =	sor.u32 s1, s4;
	s11 =	sadd.s32 $0x130, s21;
	s30 =	spop (v2sf)  }
0x57: {  	(v2sf) =	vpush v0, $0x6;
	[hbm4b:s9+s2] =	stream.linear.scatter [tilespmem:s5], [sflag:$0x1], $0x80, $0x38;
	[tilespmem:$0x8580] =	vst v63  }
0x58: {  	s8 =	sshll.u32 s30, $0x9;
	s28 =	sshll.u32 s30, $0x7;
	s29 =	sadd.s32 $0x20, s21  }
0x59: {  	[hbm4b:s29+s2] =	stream.linear.scatter [tilespmem:s0], [sflag:$0x1], $0x80, $0x38;
	[tilespmem:$0x8580] =	vst v63  }
0x5a: {  	s30 =	sor.u32 $0x400, s0;
	s6 =	sand.u32 $0xFFFFF000, s8;
	s31 =	sadd.s32 $0xA0, s21  }
0x5b: {  	[hbm4b:s31+s2] =	stream.linear.scatter [tilespmem:s30], [sflag:$0x1], $0x80, $0x38;
	[tilespmem:$0x8580] =	vst v63  }
0x5c: {  	s10 =	spop (v2sf);
	s8 =	sor.u32 $0x800, s0;
	s9 =	sadd.s32 $0x120, s21  }
0x5d: {  	(v2sf) =	vpush v0, $0x7;
	[hbm4b:s9+s2] =	stream.linear.scatter [tilespmem:s8], [sflag:$0x1], $0x80, $0x38;
	[tilespmem:$0x8580] =	vst v63  }
0x5e: {  	s5 =	sand.u32 $0x380, s28;
	s0 =	sor.u32 $0xC00, s0;
	s29 =	sadd.s32 $0x1A0, s21  }
0x5f: {  	[hbm4b:s29+s2] =	stream.linear.scatter [tilespmem:s0], [sflag:$0x1], $0x80, $0x38;
	[tilespmem:$0x8580] =	vst v63  }
0x60: {  	s28 =	sadd.s32 $0x1B0, s21;
	s30 =	sadd.s32 $0x30, s21;
	s31 =	sshll.u32 s10, $0x9  }
0x61: {  	[hbm4b:s30+s2] =	stream.linear.scatter [tilespmem:s1], [sflag:$0x1], $0x80, $0x38;
	[tilespmem:$0x8580] =	vst v63  }
0x62: {  	s8 =	sadd.s32 $0xB0, s21;
	s0 =	sor.u32 s5, s6;
	s6 =	sor.u32 $0x400, s1  }
0x63: {  	[hbm4b:s8+s2] =	stream.linear.scatter [tilespmem:s6], [sflag:$0x1], $0x80, $0x38;
	[tilespmem:$0x8580] =	vst v63  }
0x64: {  	s4 =	sand.u32 $0xFFFFF000, s31;
	s9 =	sshll.u32 s10, $0x7;
	s10 =	sor.u32 $0x800, s1  }
0x65: {  	[hbm4b:s11+s2] =	stream.linear.scatter [tilespmem:s10], [sflag:$0x1], $0x80, $0x38;
	[tilespmem:$0x8580] =	vst v63  }
0x66: {  	s1 =	sor.u32 $0xC00, s1;
	s30 =	sadd.s32 $0x40, s21;
	s29 =	spop (v2sf)  }
0x67: {  	[hbm4b:s28+s2] =	stream.linear.scatter [tilespmem:s1], [sflag:$0x1], $0x80, $0x38;
	[tilespmem:$0x8580] =	vst v63  }
0x68: {  	s31 =	sshll.u32 s29, $0x9;
	s8 =	sor.u32 $0x400, s0;
	s5 =	sshll.u32 s29, $0x7  }
0x69: {  	[hbm4b:s30+s2] =	stream.linear.scatter [tilespmem:s0], [sflag:$0x1], $0x80, $0x38;
	[tilespmem:$0x8580] =	vst v63  }
0x6a: {  	s29 =	sadd.s32 $0x140, s21;
	s1 =	sand.u32 $0x380, s9;
	s9 =	sadd.s32 $0xC0, s21  }
0x6b: {  	[hbm4b:s9+s2] =	stream.linear.scatter [tilespmem:s8], [sflag:$0x1], $0x80, $0x38;
	[tilespmem:$0x8580] =	vst v63  }
0x6c: {  	s6 =	sand.u32 $0xFFFFF000, s31;
	s31 =	spop (v2sf);
	s28 =	sor.u32 $0x800, s0  }
0x6d: {  	(v2sf) =	vpush v0, $0x8;
	[hbm4b:s29+s2] =	stream.linear.scatter [tilespmem:s28], [sflag:$0x1], $0x80, $0x38;
	[tilespmem:$0x8580] =	vst v63  }
0x6e: {  	s5 =	sand.u32 $0x380, s5;
	s0 =	sor.u32 $0xC00, s0;
	s30 =	sadd.s32 $0x1C0, s21  }
0x6f: {  	[hbm4b:s30+s2] =	stream.linear.scatter [tilespmem:s0], [sflag:$0x1], $0x80, $0x38;
	[tilespmem:$0x8580] =	vst v63  }
0x70: {  	s11 =	sadd.s32 $0x60, s21;
	s1 =	sor.u32 s1, s4;
	s8 =	sadd.s32 $0x50, s21  }
0x71: {  	[hbm4b:s8+s2] =	stream.linear.scatter [tilespmem:s1], [sflag:$0x1], $0x80, $0x38;
	[tilespmem:$0x8580] =	vst v63  }
0x72: {  	s9 =	sshll.u32 s31, $0x9;
	s28 =	sor.u32 $0x400, s1;
	s29 =	sadd.s32 $0xD0, s21  }
0x73: {  	[hbm4b:s29+s2] =	stream.linear.scatter [tilespmem:s28], [sflag:$0x1], $0x80, $0x38;
	[tilespmem:$0x8580] =	vst v63  }
0x74: {  	s0 =	sshll.u32 s31, $0x7;
	s30 =	sor.u32 $0x800, s1;
	s31 =	sadd.s32 $0x150, s21  }
0x75: {  	(v2sf) =	vpush v0, $0x9;
	[hbm4b:s31+s2] =	stream.linear.scatter [tilespmem:s30], [sflag:$0x1], $0x80, $0x38;
	[tilespmem:$0x8580] =	vst v63  }
0x76: {  	s5 =	sor.u32 s5, s6;
	s1 =	sor.u32 $0xC00, s1;
	s8 =	sadd.s32 $0x1D0, s21  }
0x77: {  	[hbm4b:s8+s2] =	stream.linear.scatter [tilespmem:s1], [sflag:$0x1], $0x80, $0x38;
	[tilespmem:$0x8580] =	vst v63  }
0x78: {  	s10 =	sadd.s32 $0x70, s21;
	s9 =	sand.u32 $0xFFFFF000, s9;
	s0 =	sand.u32 $0x380, s0  }
0x79: {  	[hbm4b:s11+s2] =	stream.linear.scatter [tilespmem:s5], [sflag:$0x1], $0x80, $0x38;
	[tilespmem:$0x8580] =	vst v63  }
0x7a: {  	s0 =	sor.u32 s0, s9;
	s28 =	sor.u32 $0x400, s5;
	s29 =	sadd.s32 $0xE0, s21  }
0x7b: {  	[hbm4b:s29+s2] =	stream.linear.scatter [tilespmem:s28], [sflag:$0x1], $0x80, $0x38;
	[tilespmem:$0x8580] =	vst v63  }
0x7c: {  	s30 =	spop (v2sf);
	s31 =	sor.u32 $0x800, s5;
	s8 =	sadd.s32 $0x160, s21  }
0x7d: {  	(v2sf) =	vpush v0, $0xA;
	[hbm4b:s8+s2] =	stream.linear.scatter [tilespmem:s31], [sflag:$0x1], $0x80, $0x38;
	[tilespmem:$0x8580] =	vst v63  }
0x7e: {  	s9 =	sshll.u32 s30, $0x9;
	s4 =	sshll.u32 s30, $0x7;
	s5 =	sor.u32 $0xC00, s5  }
0x7f: {  	[hbm4b:s26+s2] =	stream.linear.scatter [tilespmem:s5], [sflag:$0x1], $0x80, $0x38;
	[tilespmem:$0x8580] =	vst v63  }
0x80: {  	s30 =	sadd.s32 $0x170, s21;
	s1 =	sand.u32 $0xFFFFF000, s9;
	s4 =	sand.u32 $0x380, s4  }
0x81: {  	[hbm4b:s10+s2] =	stream.linear.scatter [tilespmem:s0], [sflag:$0x1], $0x80, $0x38;
	[tilespmem:$0x8580] =	vst v63  }
0x82: {  	s9 =	sadd.s32 $0x200, s21;
	s11 =	sor.u32 $0x400, s0;
	s26 =	sadd.s32 $0xF0, s21  }
0x83: {  	[hbm4b:s26+s2] =	stream.linear.scatter [tilespmem:s11], [sflag:$0x1], $0x80, $0x38;
	[tilespmem:$0x8580] =	vst v63  }
0x84: {  	s1 =	sor.u32 s4, s1;
	s28 =	spop (v2sf);
	s29 =	sor.u32 $0x800, s0  }
0x85: {  	(v2sf) =	vpush v0, $0xB;
	[hbm4b:s30+s2] =	stream.linear.scatter [tilespmem:s29], [sflag:$0x1], $0x80, $0x38;
	[tilespmem:$0x8580] =	vst v63  }
0x86: {  	s4 =	sshll.u32 s28, $0x9;
	s31 =	sadd.s32 $0x1F0, s21;
	s0 =	sor.u32 $0xC00, s0  }
0x87: {  	[hbm4b:s31+s2] =	stream.linear.scatter [tilespmem:s0], [sflag:$0x1], $0x80, $0x38;
	[tilespmem:$0x8580] =	vst v63  }
0x88: {  	s8 =	sshll.u32 s28, $0x7;
	s28 =	sadd.s32 $0x300, s21;
	s5 =	sadd.s32 $0x290, s21  }
0x89: {  	[hbm4b:s9+s2] =	stream.linear.scatter [tilespmem:s1], [sflag:$0x1], $0x80, $0x38;
	[tilespmem:$0x8580] =	vst v63  }
0x8a: {  	s10 =	sor.u32 $0x400, s1;
	s11 =	sadd.s32 $0x280, s21;
	s26 =	sor.u32 $0x800, s1  }
0x8b: {  	(v2sf) =	vpush v0, $0xC;
	[hbm4b:s11+s2] =	stream.linear.scatter [tilespmem:s10], [sflag:$0x1], $0x80, $0x38;
	[tilespmem:$0x8580] =	vst v63  }
0x8c: {  	s29 =	sadd.s32 $0x380, s21;
	s30 =	spop (v2sf);
	s0 =	sand.u32 $0xFFFFF000, s4  }
0x8d: {  	[hbm4b:s28+s2] =	stream.linear.scatter [tilespmem:s26], [sflag:$0x1], $0x80, $0x38;
	[tilespmem:$0x8580] =	vst v63  }
0x8e: {  	s4 =	sand.u32 $0x380, s8;
	s8 =	sshll.u32 s30, $0x9;
	s1 =	sor.u32 $0xC00, s1  }
0x8f: {  	[hbm4b:s29+s2] =	stream.linear.scatter [tilespmem:s1], [sflag:$0x1], $0x80, $0x38;
	[tilespmem:$0x8580] =	vst v63  }
0x90: {  	s31 =	sadd.s32 $0x210, s21;
	s0 =	sor.u32 s4, s0;
	s4 =	sand.u32 $0xFFFFF000, s8  }
0x91: {  	[hbm4b:s31+s2] =	stream.linear.scatter [tilespmem:s0], [sflag:$0x1], $0x80, $0x38;
	[tilespmem:$0x8580] =	vst v63  }
0x92: {  	s9 =	sor.u32 $0x400, s0;
	s10 =	sor.u32 $0x800, s0;
	s11 =	sadd.s32 $0x310, s21  }
0x93: {  	(v2sf) =	vpush v0, $0xD;
	[hbm4b:s5+s2] =	stream.linear.scatter [tilespmem:s9], [sflag:$0x1], $0x80, $0x38;
	[tilespmem:$0x8580] =	vst v63  }
0x94: {  	s26 =	sadd.s32 $0x390, s21;
	s1 =	sshll.u32 s30, $0x7;
	s29 =	spop (v2sf)  }
0x95: {  	[hbm4b:s11+s2] =	stream.linear.scatter [tilespmem:s10], [sflag:$0x1], $0x80, $0x38;
	[tilespmem:$0x8580] =	vst v63  }
0x96: {  	s30 =	sadd.s32 $0x220, s21;
	s1 =	sand.u32 $0x380, s1;
	s0 =	sor.u32 $0xC00, s0  }
0x97: {  	[hbm4b:s26+s2] =	stream.linear.scatter [tilespmem:s0], [sflag:$0x1], $0x80, $0x38;
	[tilespmem:$0x8580] =	vst v63  }
0x98: {  	s28 =	sor.u32 s1, s4;
	s31 =	sshll.u32 s29, $0x9;
	s1 =	sshll.u32 s29, $0x7  }
0x99: {  	(v2sf) =	vpush v0, $0xE;
	[hbm4b:s30+s2] =	stream.linear.scatter [tilespmem:s28], [sflag:$0x1], $0x80, $0x38;
	[tilespmem:$0x8580] =	vst v63  }
0x9a: {  	s6 =	sor.u32 $0x400, s28;
	s4 =	sand.u32 $0xFFFFF000, s31;
	s9 =	spop (v2sf)  }
0x9b: {  	[hbm4b:s25+s2] =	stream.linear.scatter [tilespmem:s6], [sflag:$0x1], $0x80, $0x38;
	[tilespmem:$0x8580] =	vst v63  }
0x9c: {  	s1 =	sand.u32 $0x380, s1;
	s8 =	sor.u32 $0x800, s28;
	s29 =	sshll.u32 s9, $0x7  }
0x9d: {  	[hbm4b:s24+s2] =	stream.linear.scatter [tilespmem:s8], [sflag:$0x1], $0x80, $0x38;
	[tilespmem:$0x8580] =	vst v63  }
0x9e: {  	s10 =	sadd.s32 $0x3A0, s21;
	s11 =	sor.u32 s1, s4;
	s0 =	sor.u32 $0xC00, s28  }
0x9f: {  	[hbm4b:s10+s2] =	stream.linear.scatter [tilespmem:s0], [sflag:$0x1], $0x80, $0x38;
	[tilespmem:$0x8580] =	vst v63  }
0xa0: {  	s4 =	sand.u32 $0x380, s29;
	s31 =	sor.u32 $0x800, s11;
	s25 =	sadd.s32 $0x230, s21  }
0xa1: {  	[hbm4b:s25+s2] =	stream.linear.scatter [tilespmem:s11], [sflag:$0x1], $0x80, $0x38;
	[tilespmem:$0x8580] =	vst v63  }
0xa2: {  	s26 =	sor.u32 $0x400, s11;
	s28 =	sadd.s32 $0x2B0, s21;
	s30 =	spop (v2sf)  }
0xa3: {  	[hbm4b:s28+s2] =	stream.linear.scatter [tilespmem:s26], [sflag:$0x1], $0x80, $0x38;
	[tilespmem:$0x8580] =	vst v63  }
0xa4: {  	s24 =	sshll.u32 s9, $0x9;
	s8 =	sadd.s32 $0x3B0, s21;
	s9 =	sshll.u32 s30, $0x9  }
0xa5: {  	(v2sf) =	vpush v0, $0xF;
	[hbm4b:s23+s2] =	stream.linear.scatter [tilespmem:s31], [sflag:$0x1], $0x80, $0x38;
	[tilespmem:$0x8580] =	vst v63  }
0xa6: {  	s1 =	sand.u32 $0xFFFFF000, s24;
	s24 =	sadd.s32 $0x2C0, s21;
	s0 =	sor.u32 $0xC00, s11  }
0xa7: {  	[hbm4b:s8+s2] =	stream.linear.scatter [tilespmem:s0], [sflag:$0x1], $0x80, $0x38;
	[tilespmem:$0x8580] =	vst v63  }
0xa8: {  	s29 =	spop (v2sf);
	s10 =	sadd.s32 $0x240, s21;
	s1 =	sor.u32 s4, s1  }
0xa9: {  	[hbm4b:s10+s2] =	stream.linear.scatter [tilespmem:s1], [sflag:$0x1], $0x80, $0x38;
	[tilespmem:$0x8580] =	vst v63  }
0xaa: {  	s11 =	sshll.u32 s30, $0x7;
	s25 =	sor.u32 $0x800, s1;
	s23 =	sor.u32 $0x400, s1  }
0xab: {  	[hbm4b:s24+s2] =	stream.linear.scatter [tilespmem:s23], [sflag:$0x1], $0x80, $0x38;
	[tilespmem:$0x8580] =	vst v63  }
0xac: {  	s30 =	sadd.s32 $0x250, s21;
	s4 =	sand.u32 $0x380, s11;
	s26 =	sadd.s32 $0x340, s21  }
0xad: {  	[hbm4b:s26+s2] =	stream.linear.scatter [tilespmem:s25], [sflag:$0x1], $0x80, $0x38;
	[tilespmem:$0x8580] =	vst v63  }
0xae: {  	s28 =	sadd.s32 $0x3C0, s21;
	s0 =	sand.u32 $0xFFFFF000, s9;
	s1 =	sor.u32 $0xC00, s1  }
0xaf: {  	[hbm4b:s28+s2] =	stream.linear.scatter [tilespmem:s1], [sflag:$0x1], $0x80, $0x38;
	[tilespmem:$0x8580] =	vst v63  }
0xb0: {  	s31 =	sshll.u32 s29, $0x9;
	s9 =	sadd.s32 $0x350, s21;
	s0 =	sor.u32 s4, s0  }
0xb1: {  	[hbm4b:s30+s2] =	stream.linear.scatter [tilespmem:s0], [sflag:$0x1], $0x80, $0x38;
	[tilespmem:$0x8580] =	vst v63  }
0xb2: {  	s4 =	sand.u32 $0xFFFFF000, s31;
	s6 =	sor.u32 $0x400, s0;
	s8 =	sor.u32 $0x800, s0  }
0xb3: {  	[hbm4b:s22+s2] =	stream.linear.scatter [tilespmem:s6], [sflag:$0x1], $0x80, $0x38;
	[tilespmem:$0x8580] =	vst v63  }
0xb4: {  	s10 =	sadd.s32 $0x3D0, s21;
	s23 =	spop (v2sf);
	s1 =	sshll.u32 s29, $0x7  }
0xb5: {  	[hbm4b:s9+s2] =	stream.linear.scatter [tilespmem:s8], [sflag:$0x1], $0x80, $0x38;
	[tilespmem:$0x8580] =	vst v63  }
0xb6: {  	s24 =	sadd.s32 $0x2E0, s21;
	s1 =	sand.u32 $0x380, s1;
	s0 =	sor.u32 $0xC00, s0  }
0xb7: {  	[hbm4b:s10+s2] =	stream.linear.scatter [tilespmem:s0], [sflag:$0x1], $0x80, $0x38;
	[tilespmem:$0x8580] =	vst v63  }
0xb8: {  	s25 =	sshll.u32 s23, $0x9;
	s11 =	sor.u32 s1, s4;
	s22 =	sadd.s32 $0x260, s21  }
0xb9: {  	[hbm4b:s22+s2] =	stream.linear.scatter [tilespmem:s11], [sflag:$0x1], $0x80, $0x38;
	[tilespmem:$0x8580] =	vst v63  }
0xba: {  	s28 =	sadd.s32 $0x360, s21;
	s29 =	sadd.s32 $0x3E0, s21;
	s4 =	sor.u32 $0x400, s11  }
0xbb: {  	[hbm4b:s24+s2] =	stream.linear.scatter [tilespmem:s4], [sflag:$0x1], $0x80, $0x38;
	[tilespmem:$0x8580] =	vst v63  }
0xbc: {  	s1 =	sshll.u32 s23, $0x7;
	s30 =	sand.u32 $0xFFFFF000, s25;
	s26 =	sor.u32 $0x800, s11  }
0xbd: {  	[hbm4b:s28+s2] =	stream.linear.scatter [tilespmem:s26], [sflag:$0x1], $0x80, $0x38;
	[tilespmem:$0x8580] =	vst v63  }
0xbe: {  	s23 =	sadd.s32 $0x10, s17;
	s31 =	sand.u32 $0x380, s1;
	s0 =	sor.u32 $0xC00, s11  }
0xbf: {  	[hbm4b:s29+s2] =	stream.linear.scatter [tilespmem:s0], [sflag:$0x1], $0x80, $0x38;
	[tilespmem:$0x8580] =	vst v63  }
0xc0: {  	s1 =	sadd.s32 $0x270, s21;
	s22 =	simm.s32 $0x400;
	s0 =	sor.u32 s31, s30  }
.LBB2_6:
0xc1: {  	[hbm4b:s1+s2] =	stream.linear.scatter [tilespmem:s0], [sflag:$0x1], $0x80, $0x38;
	[tilespmem:$0x8580] =	vst v63  }
0xc2: {  	s1 =	smov.u32 s22  }
0xc3: {  	p1 =	sne.s32 s22, $0x1000;
	s4 =	sor.u32 $0x400, s0;
	s5 =	sadd.s32 $0x2F0, s21  }
0xc4: {  	[hbm4b:s5+s2] =	stream.linear.scatter [tilespmem:s4], [sflag:$0x1], $0x80, $0x38;
	[tilespmem:$0x8580] =	vst v63  }
0xc5: {  	s22 =	sadd.s32 $0x400, s22;
	s4 =	sor.u32 $0x800, s0;
	s5 =	sadd.s32 $0x370, s21  }
0xc6: {  	[hbm4b:s5+s2] =	stream.linear.scatter [tilespmem:s4], [sflag:$0x1], $0x80, $0x38;
	[tilespmem:$0x8580] =	vst v63  }
0xc7: {  	s0 =	sor.u32 $0xC00, s0;
	s4 =	sadd.s32 $0x3F0, s21  }
0xc8: {  	[hbm4b:s4+s2] =	stream.linear.scatter [tilespmem:s0], [sflag:$0x1], $0x80, $0x38;
	[tilespmem:$0x8580] =	vst v63  }
0xc9: {  	v0 =	vld [tilespmem:s23+$0x0];
	_ =	sdelay $0x4  }
0xca: {  	(v2sf) =	vpush v0, $0x2  }
0xcb: {  	(v2sf) =	vpush v0, $0x0  }
0xcc: {  	(v2sf) =	vpush v0, $0x1;
	_ =	sdelay $0x5  }
0xcd: {  	(v2sf) =	vpush v0, $0x3;
	_ =	sdelay $0x1  }
0xce: {  	s21 =	sadd.s32 s1, s19  }
0xcf: {  	s1 =	sadd.s32 $0x180, s21;
	s29 =	sadd.s32 $0x1E0, s21;
	s0 =	sadd.s32 $0x100, s21  }
0xd0: {  	s26 =	sadd.s32 $0x320, s21;
	s4 =	sadd.s32 $0x90, s21;
	_ =	sdelay $0x1  }
0xd1: {  	s5 =	sadd.s32 $0x110, s21;
	s28 =	sadd.s32 $0x2A0, s21;
	s24 =	sadd.s32 $0x2D0, s21;
	(v2sf) =	vpush v0, $0x4  }
0xd2: {  	s6 =	sadd.s32 $0x80, s21;
	s25 =	sadd.s32 $0x330, s21;
	s10 =	spop (v2sf)  }
0xd3: {  	s11 =	sshll.u32 s10, $0x9;
	s10 =	sshll.u32 s10, $0x7;
	s30 =	spop (v2sf)  }
0xd4: {  	s31 =	sshll.u32 s30, $0x9;
	s30 =	sshll.u32 s30, $0x7;
	s8 =	spop (v2sf)  }
0xd5: {  	s31 =	sand.u32 $0xFFFFF000, s31;
	s30 =	sand.u32 $0x380, s30;
	s9 =	sshll.u32 s8, $0x9  }
0xd6: {  	s11 =	sand.u32 $0xFFFFF000, s11;
	s8 =	sshll.u32 s8, $0x7;
	s30 =	sor.u32 s30, s31  }
0xd7: {  	[hbm4b:s21+s2] =	stream.linear.scatter [tilespmem:s30], [sflag:$0x1], $0x80, $0x38;
	(v2sf) =	vpush v0, $0x5;
	[tilespmem:$0x8580] =	vst v63  }
0xd8: {  	s10 =	sand.u32 $0x380, s10;
	s8 =	sand.u32 $0x380, s8;
	s31 =	sor.u32 $0x400, s30  }
0xd9: {  	[hbm4b:s6+s2] =	stream.linear.scatter [tilespmem:s31], [sflag:$0x1], $0x80, $0x38;
	[tilespmem:$0x8580] =	vst v63  }
0xda: {  	s10 =	sor.u32 s10, s11;
	s6 =	sor.u32 $0x800, s30;
	s11 =	spop (v2sf)  }
0xdb: {  	[hbm4b:s0+s2] =	stream.linear.scatter [tilespmem:s6], [sflag:$0x1], $0x80, $0x38;
	[tilespmem:$0x8580] =	vst v63  }
0xdc: {  	s0 =	sor.u32 $0xC00, s30;
	s6 =	sand.u32 $0xFFFFF000, s9;
	s9 =	sshll.u32 s11, $0x9  }
0xdd: {  	[hbm4b:s1+s2] =	stream.linear.scatter [tilespmem:s0], [sflag:$0x1], $0x80, $0x38;
	[tilespmem:$0x8580] =	vst v63  }
0xde: {  	s0 =	sadd.s32 $0x10, s21;
	s1 =	sor.u32 s8, s6;
	s6 =	sshll.u32 s11, $0x7  }
0xdf: {  	[hbm4b:s0+s2] =	stream.linear.scatter [tilespmem:s1], [sflag:$0x1], $0x80, $0x38;
	[tilespmem:$0x8580] =	vst v63  }
0xe0: {  	s6 =	sand.u32 $0x380, s6;
	s0 =	sor.u32 $0x400, s1;
	s8 =	spop (v2sf)  }
0xe1: {  	[hbm4b:s4+s2] =	stream.linear.scatter [tilespmem:s0], [sflag:$0x1], $0x80, $0x38;
	[tilespmem:$0x8580] =	vst v63  }
0xe2: {  	s0 =	sor.u32 $0x800, s1;
	s4 =	sshll.u32 s8, $0x9;
	s8 =	sshll.u32 s8, $0x7  }
0xe3: {  	[hbm4b:s5+s2] =	stream.linear.scatter [tilespmem:s0], [sflag:$0x1], $0x80, $0x38;
	[tilespmem:$0x8580] =	vst v63  }
0xe4: {  	s4 =	sand.u32 $0xFFFFF000, s4;
	s0 =	sor.u32 $0xC00, s1;
	s1 =	sadd.s32 $0x190, s21  }
0xe5: {  	[hbm4b:s1+s2] =	stream.linear.scatter [tilespmem:s0], [sflag:$0x1], $0x80, $0x38;
	(v2sf) =	vpush v0, $0x6;
	[tilespmem:$0x8580] =	vst v63  }
0xe6: {  	s0 =	sadd.s32 $0x20, s21;
	s1 =	sand.u32 $0x380, s8;
	s5 =	spop (v2sf)  }
0xe7: {  	[hbm4b:s0+s2] =	stream.linear.scatter [tilespmem:s10], [sflag:$0x1], $0x80, $0x38;
	[tilespmem:$0x8580] =	vst v63  }
0xe8: {  	s8 =	sadd.s32 $0xA0, s21;
	s1 =	sor.u32 s1, s4;
	s0 =	sor.u32 $0x400, s10  }
0xe9: {  	[hbm4b:s8+s2] =	stream.linear.scatter [tilespmem:s0], [sflag:$0x1], $0x80, $0x38;
	[tilespmem:$0x8580] =	vst v63  }
0xea: {  	s4 =	sadd.s32 $0x120, s21;
	s0 =	sor.u32 $0x800, s10;
	s8 =	sshll.u32 s5, $0x9  }
0xeb: {  	[hbm4b:s4+s2] =	stream.linear.scatter [tilespmem:s0], [sflag:$0x1], $0x80, $0x38;
	(v2sf) =	vpush v0, $0x7;
	[tilespmem:$0x8580] =	vst v63  }
0xec: {  	s9 =	sand.u32 $0xFFFFF000, s9;
	s0 =	sor.u32 $0xC00, s10;
	s4 =	sadd.s32 $0x1A0, s21  }
0xed: {  	[hbm4b:s4+s2] =	stream.linear.scatter [tilespmem:s0], [sflag:$0x1], $0x80, $0x38;
	[tilespmem:$0x8580] =	vst v63  }
0xee: {  	s5 =	sshll.u32 s5, $0x7;
	s0 =	sadd.s32 $0x30, s21;
	s4 =	sor.u32 s6, s9  }
0xef: {  	[hbm4b:s0+s2] =	stream.linear.scatter [tilespmem:s4], [sflag:$0x1], $0x80, $0x38;
	[tilespmem:$0x8580] =	vst v63  }
0xf0: {  	s8 =	sand.u32 $0xFFFFF000, s8;
	s6 =	sadd.s32 $0xB0, s21;
	s0 =	sor.u32 $0x400, s4  }
0xf1: {  	[hbm4b:s6+s2] =	stream.linear.scatter [tilespmem:s0], [sflag:$0x1], $0x80, $0x38;
	[tilespmem:$0x8580] =	vst v63  }
0xf2: {  	s5 =	sand.u32 $0x380, s5;
	s0 =	sor.u32 $0x800, s4;
	s6 =	sadd.s32 $0x130, s21  }
0xf3: {  	[hbm4b:s6+s2] =	stream.linear.scatter [tilespmem:s0], [sflag:$0x1], $0x80, $0x38;
	[tilespmem:$0x8580] =	vst v63  }
0xf4: {  	s0 =	sor.u32 $0xC00, s4;
	s4 =	sadd.s32 $0x1B0, s21;
	s6 =	spop (v2sf)  }
0xf5: {  	[hbm4b:s4+s2] =	stream.linear.scatter [tilespmem:s0], [sflag:$0x1], $0x80, $0x38;
	[tilespmem:$0x8580] =	vst v63  }
0xf6: {  	s0 =	sadd.s32 $0x40, s21;
	s4 =	sshll.u32 s6, $0x9;
	s6 =	sshll.u32 s6, $0x7  }
0xf7: {  	[hbm4b:s0+s2] =	stream.linear.scatter [tilespmem:s1], [sflag:$0x1], $0x80, $0x38;
	[tilespmem:$0x8580] =	vst v63  }
0xf8: {  	s9 =	sadd.s32 $0xC0, s21;
	s4 =	sand.u32 $0xFFFFF000, s4;
	s0 =	sor.u32 $0x400, s1  }
0xf9: {  	[hbm4b:s9+s2] =	stream.linear.scatter [tilespmem:s0], [sflag:$0x1], $0x80, $0x38;
	(v2sf) =	vpush v0, $0x8;
	[tilespmem:$0x8580] =	vst v63  }
0xfa: {  	s0 =	sor.u32 $0x800, s1;
	s9 =	sadd.s32 $0x140, s21;
	s10 =	spop (v2sf)  }
0xfb: {  	[hbm4b:s9+s2] =	stream.linear.scatter [tilespmem:s0], [sflag:$0x1], $0x80, $0x38;
	[tilespmem:$0x8580] =	vst v63  }
0xfc: {  	s0 =	sor.u32 $0xC00, s1;
	s1 =	sadd.s32 $0x1C0, s21;
	s9 =	sshll.u32 s10, $0x9  }
0xfd: {  	[hbm4b:s1+s2] =	stream.linear.scatter [tilespmem:s0], [sflag:$0x1], $0x80, $0x38;
	[tilespmem:$0x8580] =	vst v63  }
0xfe: {  	s0 =	sadd.s32 $0x50, s21;
	s1 =	sor.u32 s5, s8;
	s5 =	sshll.u32 s10, $0x7  }
0xff: {  	[hbm4b:s0+s2] =	stream.linear.scatter [tilespmem:s1], [sflag:$0x1], $0x80, $0x38;
	(v2sf) =	vpush v0, $0x9;
	[tilespmem:$0x8580] =	vst v63  }
0x100: {  	s9 =	sand.u32 $0xFFFFF000, s9;
	s8 =	sadd.s32 $0xD0, s21;
	s0 =	sor.u32 $0x400, s1  }
0x101: {  	[hbm4b:s8+s2] =	stream.linear.scatter [tilespmem:s0], [sflag:$0x1], $0x80, $0x38;
	[tilespmem:$0x8580] =	vst v63  }
0x102: {  	s5 =	sand.u32 $0x380, s5;
	s0 =	sor.u32 $0x800, s1;
	s8 =	sadd.s32 $0x150, s21  }
0x103: {  	[hbm4b:s8+s2] =	stream.linear.scatter [tilespmem:s0], [sflag:$0x1], $0x80, $0x38;
	[tilespmem:$0x8580] =	vst v63  }
0x104: {  	s6 =	sand.u32 $0x380, s6;
	s0 =	sor.u32 $0xC00, s1;
	s1 =	sadd.s32 $0x1D0, s21  }
0x105: {  	[hbm4b:s1+s2] =	stream.linear.scatter [tilespmem:s0], [sflag:$0x1], $0x80, $0x38;
	[tilespmem:$0x8580] =	vst v63  }
0x106: {  	s0 =	sadd.s32 $0x60, s21;
	s1 =	sor.u32 s6, s4;
	s4 =	sor.u32 s5, s9  }
0x107: {  	[hbm4b:s0+s2] =	stream.linear.scatter [tilespmem:s1], [sflag:$0x1], $0x80, $0x38;
	(v2sf) =	vpush v0, $0xA;
	[tilespmem:$0x8580] =	vst v63  }
0x108: {  	s5 =	sadd.s32 $0xE0, s21;
	s0 =	sor.u32 $0x400, s1;
	s6 =	spop (v2sf)  }
0x109: {  	[hbm4b:s5+s2] =	stream.linear.scatter [tilespmem:s0], [sflag:$0x1], $0x80, $0x38;
	[tilespmem:$0x8580] =	vst v63  }
0x10a: {  	s0 =	sor.u32 $0x800, s1;
	s5 =	sadd.s32 $0x160, s21;
	s8 =	sshll.u32 s6, $0x9  }
0x10b: {  	[hbm4b:s5+s2] =	stream.linear.scatter [tilespmem:s0], [sflag:$0x1], $0x80, $0x38;
	[tilespmem:$0x8580] =	vst v63  }
0x10c: {  	s0 =	sor.u32 $0xC00, s1;
	s1 =	sand.u32 $0xFFFFF000, s8;
	s5 =	sshll.u32 s6, $0x7  }
0x10d: {  	[hbm4b:s29+s2] =	stream.linear.scatter [tilespmem:s0], [sflag:$0x1], $0x80, $0x38;
	[tilespmem:$0x8580] =	vst v63  }
0x10e: {  	s5 =	sand.u32 $0x380, s5;
	s0 =	sadd.s32 $0x70, s21;
	s6 =	spop (v2sf)  }
0x10f: {  	[hbm4b:s0+s2] =	stream.linear.scatter [tilespmem:s4], [sflag:$0x1], $0x80, $0x38;
	[tilespmem:$0x8580] =	vst v63  }
0x110: {  	s8 =	sadd.s32 $0xF0, s21;
	s1 =	sor.u32 s5, s1;
	s0 =	sor.u32 $0x400, s4  }
0x111: {  	[hbm4b:s8+s2] =	stream.linear.scatter [tilespmem:s0], [sflag:$0x1], $0x80, $0x38;
	[tilespmem:$0x8580] =	vst v63  }
0x112: {  	s5 =	sadd.s32 $0x170, s21;
	s0 =	sor.u32 $0x800, s4;
	s8 =	sshll.u32 s6, $0x9  }
0x113: {  	[hbm4b:s5+s2] =	stream.linear.scatter [tilespmem:s0], [sflag:$0x1], $0x80, $0x38;
	[tilespmem:$0x8580] =	vst v63  }
0x114: {  	s0 =	sor.u32 $0xC00, s4;
	s4 =	sadd.s32 $0x1F0, s21;
	s5 =	sshll.u32 s6, $0x7  }
0x115: {  	[hbm4b:s4+s2] =	stream.linear.scatter [tilespmem:s0], [sflag:$0x1], $0x80, $0x38;
	(v2sf) =	vpush v0, $0xB;
	[tilespmem:$0x8580] =	vst v63  }
0x116: {  	s0 =	sadd.s32 $0x200, s21;
	s4 =	sadd.s32 $0x290, s21;
	s6 =	spop (v2sf)  }
0x117: {  	[hbm4b:s0+s2] =	stream.linear.scatter [tilespmem:s1], [sflag:$0x1], $0x80, $0x38;
	[tilespmem:$0x8580] =	vst v63  }
0x118: {  	s9 =	sadd.s32 $0x280, s21;
	s0 =	sor.u32 $0x400, s1;
	s10 =	sshll.u32 s6, $0x9  }
0x119: {  	[hbm4b:s9+s2] =	stream.linear.scatter [tilespmem:s0], [sflag:$0x1], $0x80, $0x38;
	[tilespmem:$0x8580] =	vst v63  }
0x11a: {  	s11 =	sadd.s32 $0x380, s21;
	s0 =	sor.u32 $0x800, s1;
	s9 =	sadd.s32 $0x300, s21  }
0x11b: {  	[hbm4b:s9+s2] =	stream.linear.scatter [tilespmem:s0], [sflag:$0x1], $0x80, $0x38;
	(v2sf) =	vpush v0, $0xC;
	[tilespmem:$0x8580] =	vst v63  }
0x11c: {  	s5 =	sand.u32 $0x380, s5;
	s0 =	sor.u32 $0xC00, s1;
	s1 =	sand.u32 $0xFFFFF000, s8  }
0x11d: {  	[hbm4b:s11+s2] =	stream.linear.scatter [tilespmem:s0], [sflag:$0x1], $0x80, $0x38;
	[tilespmem:$0x8580] =	vst v63  }
0x11e: {  	s1 =	sor.u32 s5, s1;
	s5 =	sshll.u32 s6, $0x7;
	s0 =	sadd.s32 $0x210, s21  }
0x11f: {  	[hbm4b:s0+s2] =	stream.linear.scatter [tilespmem:s1], [sflag:$0x1], $0x80, $0x38;
	[tilespmem:$0x8580] =	vst v63  }
0x120: {  	s6 =	sand.u32 $0xFFFFF000, s10;
	s5 =	sand.u32 $0x380, s5;
	s0 =	sor.u32 $0x400, s1  }
0x121: {  	[hbm4b:s4+s2] =	stream.linear.scatter [tilespmem:s0], [sflag:$0x1], $0x80, $0x38;
	(v2sf) =	vpush v0, $0xD;
	[tilespmem:$0x8580] =	vst v63  }
0x122: {  	s5 =	sor.u32 s5, s6;
	s0 =	sor.u32 $0x800, s1;
	s4 =	sadd.s32 $0x310, s21  }
0x123: {  	[hbm4b:s4+s2] =	stream.linear.scatter [tilespmem:s0], [sflag:$0x1], $0x80, $0x38;
	[tilespmem:$0x8580] =	vst v63  }
0x124: {  	s0 =	sor.u32 $0xC00, s1;
	s1 =	sadd.s32 $0x390, s21;
	s4 =	spop (v2sf)  }
0x125: {  	[hbm4b:s1+s2] =	stream.linear.scatter [tilespmem:s0], [sflag:$0x1], $0x80, $0x38;
	[tilespmem:$0x8580] =	vst v63  }
0x126: {  	s0 =	sadd.s32 $0x220, s21;
	s1 =	sshll.u32 s4, $0x9;
	s4 =	sshll.u32 s4, $0x7  }
0x127: {  	[hbm4b:s0+s2] =	stream.linear.scatter [tilespmem:s5], [sflag:$0x1], $0x80, $0x38;
	[tilespmem:$0x8580] =	vst v63  }
0x128: {  	s1 =	sand.u32 $0xFFFFF000, s1;
	s4 =	sand.u32 $0x380, s4;
	s0 =	sor.u32 $0x400, s5  }
0x129: {  	[hbm4b:s28+s2] =	stream.linear.scatter [tilespmem:s0], [sflag:$0x1], $0x80, $0x38;
	(v2sf) =	vpush v0, $0xE;
	[tilespmem:$0x8580] =	vst v63  }
0x12a: {  	s1 =	sor.u32 s4, s1;
	s0 =	sor.u32 $0x800, s5;
	s4 =	spop (v2sf)  }
0x12b: {  	[hbm4b:s26+s2] =	stream.linear.scatter [tilespmem:s0], [sflag:$0x1], $0x80, $0x38;
	[tilespmem:$0x8580] =	vst v63  }
0x12c: {  	s0 =	sor.u32 $0xC00, s5;
	s5 =	sadd.s32 $0x3A0, s21;
	s6 =	sshll.u32 s4, $0x9  }
0x12d: {  	[hbm4b:s5+s2] =	stream.linear.scatter [tilespmem:s0], [sflag:$0x1], $0x80, $0x38;
	[tilespmem:$0x8580] =	vst v63  }
0x12e: {  	s4 =	sshll.u32 s4, $0x7;
	s0 =	sadd.s32 $0x230, s21;
	s5 =	sand.u32 $0xFFFFF000, s6  }
0x12f: {  	[hbm4b:s0+s2] =	stream.linear.scatter [tilespmem:s1], [sflag:$0x1], $0x80, $0x38;
	[tilespmem:$0x8580] =	vst v63  }
0x130: {  	s6 =	sadd.s32 $0x2B0, s21;
	s0 =	sor.u32 $0x400, s1;
	s8 =	spop (v2sf)  }
0x131: {  	[hbm4b:s6+s2] =	stream.linear.scatter [tilespmem:s0], [sflag:$0x1], $0x80, $0x38;
	[tilespmem:$0x8580] =	vst v63  }
0x132: {  	s0 =	sor.u32 $0x800, s1;
	s6 =	sshll.u32 s8, $0x9;
	s8 =	sshll.u32 s8, $0x7  }
0x133: {  	[hbm4b:s25+s2] =	stream.linear.scatter [tilespmem:s0], [sflag:$0x1], $0x80, $0x38;
	[tilespmem:$0x8580] =	vst v63  }
0x134: {  	s4 =	sand.u32 $0x380, s4;
	s0 =	sor.u32 $0xC00, s1;
	s1 =	sadd.s32 $0x3B0, s21  }
0x135: {  	[hbm4b:s1+s2] =	stream.linear.scatter [tilespmem:s0], [sflag:$0x1], $0x80, $0x38;
	(v2sf) =	vpush v0, $0xF;
	[tilespmem:$0x8580] =	vst v63  }
0x136: {  	s0 =	sadd.s32 $0x240, s21;
	s1 =	sor.u32 s4, s5;
	s4 =	sand.u32 $0xFFFFF000, s6  }
0x137: {  	[hbm4b:s0+s2] =	stream.linear.scatter [tilespmem:s1], [sflag:$0x1], $0x80, $0x38;
	[tilespmem:$0x8580] =	vst v63  }
0x138: {  	s5 =	sadd.s32 $0x2C0, s21;
	s0 =	sor.u32 $0x400, s1;
	s6 =	spop (v2sf)  }
0x139: {  	[hbm4b:s5+s2] =	stream.linear.scatter [tilespmem:s0], [sflag:$0x1], $0x80, $0x38;
	[tilespmem:$0x8580] =	vst v63  }
0x13a: {  	s0 =	sor.u32 $0x800, s1;
	s5 =	sadd.s32 $0x340, s21;
	s9 =	sshll.u32 s6, $0x9  }
0x13b: {  	[hbm4b:s5+s2] =	stream.linear.scatter [tilespmem:s0], [sflag:$0x1], $0x80, $0x38;
	[tilespmem:$0x8580] =	vst v63  }
0x13c: {  	s0 =	sor.u32 $0xC00, s1;
	s1 =	sadd.s32 $0x3C0, s21;
	s5 =	sand.u32 $0x380, s8  }
0x13d: {  	[hbm4b:s1+s2] =	stream.linear.scatter [tilespmem:s0], [sflag:$0x1], $0x80, $0x38;
	[tilespmem:$0x8580] =	vst v63  }
0x13e: {  	s0 =	sadd.s32 $0x250, s21;
	s1 =	sor.u32 s5, s4;
	s4 =	sshll.u32 s6, $0x7  }
0x13f: {  	[hbm4b:s0+s2] =	stream.linear.scatter [tilespmem:s1], [sflag:$0x1], $0x80, $0x38;
	[tilespmem:$0x8580] =	vst v63  }
0x140: {  	s5 =	sand.u32 $0xFFFFF000, s9;
	s4 =	sand.u32 $0x380, s4;
	s0 =	sor.u32 $0x400, s1  }
0x141: {  	[hbm4b:s24+s2] =	stream.linear.scatter [tilespmem:s0], [sflag:$0x1], $0x80, $0x38;
	[tilespmem:$0x8580] =	vst v63  }
0x142: {  	s6 =	sadd.s32 $0x350, s21;
	s4 =	sor.u32 s4, s5;
	s0 =	sor.u32 $0x800, s1  }
0x143: {  	[hbm4b:s6+s2] =	stream.linear.scatter [tilespmem:s0], [sflag:$0x1], $0x80, $0x38;
	[tilespmem:$0x8580] =	vst v63  }
0x144: {  	s0 =	sor.u32 $0xC00, s1;
	s1 =	sadd.s32 $0x3D0, s21;
	s5 =	spop (v2sf)  }
0x145: {  	[hbm4b:s1+s2] =	stream.linear.scatter [tilespmem:s0], [sflag:$0x1], $0x80, $0x38;
	[tilespmem:$0x8580] =	vst v63  }
0x146: {  	s0 =	sadd.s32 $0x260, s21;
	s1 =	sshll.u32 s5, $0x9;
	s5 =	sshll.u32 s5, $0x7  }
0x147: {  	[hbm4b:s0+s2] =	stream.linear.scatter [tilespmem:s4], [sflag:$0x1], $0x80, $0x38;
	[tilespmem:$0x8580] =	vst v63  }
0x148: {  	s8 =	sadd.s32 $0x3E0, s21;
	s6 =	sadd.s32 $0x2E0, s21;
	s0 =	sor.u32 $0x400, s4  }
0x149: {  	[hbm4b:s6+s2] =	stream.linear.scatter [tilespmem:s0], [sflag:$0x1], $0x80, $0x38;
	[tilespmem:$0x8580] =	vst v63  }
.Ltmp6:
0x14a: {  	s0 =	sor.u32 $0x800, s4;
	s6 =	sadd.s32 $0x360, s21;
	(pc) =	sbr.rel @p1 .LBB2_6-.Ltmp6, $4  }
0x14b: {  	[hbm4b:s6+s2] =	stream.linear.scatter [tilespmem:s0], [sflag:$0x1], $0x80, $0x38;
	[tilespmem:$0x8580] =	vst v63  }
0x14c: {  	s5 =	sand.u32 $0x380, s5;
	s0 =	sor.u32 $0xC00, s4;
	s4 =	sand.u32 $0xFFFFF000, s1  }
0x14d: {  	[hbm4b:s8+s2] =	stream.linear.scatter [tilespmem:s0], [sflag:$0x1], $0x80, $0x38;
	[tilespmem:$0x8580] =	vst v63  }
0x14e: {  	s23 =	sadd.s32 $0x10, s23;
	s1 =	sadd.s32 $0x270, s21;
	s0 =	sor.u32 s5, s4  }
0x14f: {  	[hbm4b:s1+s2] =	stream.linear.scatter [tilespmem:s0], [sflag:$0x1], $0x80, $0x38;
	[tilespmem:$0x8580] =	vst v63  }
0x150: {  	s26 =	sor.u32 $0x400, s0;
	s4 =	sadd.s32 $0x2F0, s21  }
0x151: {  	[hbm4b:s4+s2] =	stream.linear.scatter [tilespmem:s26], [sflag:$0x1], $0x80, $0x38;
	[tilespmem:$0x8580] =	vst v63  }
0x152: {  	s28 =	sor.u32 $0x800, s0;
	s29 =	sadd.s32 $0x370, s21  }
0x153: {  	[hbm4b:s29+s2] =	stream.linear.scatter [tilespmem:s28], [sflag:$0x1], $0x80, $0x38;
	[tilespmem:$0x8580] =	vst v63  }
0x154: {  	s30 =	sor.u32 $0xC00, s0;
	s31 =	sadd.s32 $0x3F0, s21  }
0x155: {  	[hbm4b:s31+s2] =	stream.linear.scatter [tilespmem:s30], [sflag:$0x1], $0x80, $0x38;
	[tilespmem:$0x8580] =	vst v63  }
.LBB2_8:
0x156: {  	p1 =	sgt.u32 @!p0 s20, s3;
	s1 =	sor.u32 $0x1, s20  }
0x157: {  	p0 =	por p1, p0;
	p1 =	sge.u32 s1, s3  }
.Ltmp7:
0x158: {  	_ = 	snop;
	(pc) =	sbr.rel @p1 .LBB2_12-.Ltmp7, $4  }
0x159: {  	s0 =	simm.s32 @!p0 $0x2  }
0x15a: {  	_ =	swait.ge @!p0 [sflag:s0], $0xA000  }
0x15b: {  	[sflag:s0] =	ssyncset.done @!p0 $0x0  }
0x15c: {  	[sflag:s0] =	ssyncadd.s32 @!p0 $0xFFFF6000  }
0x15d: {  	v0 =	vld [tilespmem:s18+$0x0];
	_ =	sdelay $0x4  }
0x15e: {  	(v2sf) =	vpush v0, $0x1  }
0x15f: {  	(v2sf) =	vpush v0, $0x0;
	_ =	sdelay $0x4  }
0x160: {  	(v2sf) =	vpush v0, $0x2;
	_ =	sdelay $0x4  }
0x161: {  	s20 =	sadd.s32 $0x0, s19  }
0x162: {  	s0 =	sadd.s32 $0x1480, s20;
	s25 =	sadd.s32 $0x15E0, s20;
	s24 =	sadd.s32 $0x15F0, s20;
	(v2sf) =	vpush v0, $0x3  }
0x163: {  	s21 =	sadd.s32 $0x16D0, s20;
	s26 =	sadd.s32 $0x14E0, s20;
	s23 =	sadd.s32 $0x16A0, s20  }
0x164: {  	s22 =	sadd.s32 $0x16C0, s20;
	s1 =	sadd.s32 $0x1400, s20;
	s28 =	sadd.s32 $0x14D0, s20  }
0x165: {  	s6 =	sadd.s32 $0x1520, s20;
	s10 =	sadd.s32 $0x1500, s20;
	s4 =	spop (v2sf)  }
0x166: {  	s11 =	sadd.s32 $0x1580, s20;
	s29 =	sadd.s32 $0x1410, s20;
	s8 =	spop (v2sf)  }
0x167: {  	s5 =	sshll.u32 s4, $0x9;
	s9 =	sshll.u32 s8, $0x9;
	s8 =	sshll.u32 s8, $0x7  }
0x168: {  	s4 =	sshll.u32 s4, $0x7;
	s9 =	sand.u32 $0xFFFFF000, s9;
	s8 =	sand.u32 $0x380, s8  }
0x169: {  	s5 =	sand.u32 $0xFFFFF000, s5;
	s4 =	sand.u32 $0x380, s4;
	s8 =	sor.u32 s8, s9  }
0x16a: {  	(v2sf) =	vpush v0, $0x4;
	[hbm4b:s1+s2] =	stream.linear.scatter [tilespmem:s8], [sflag:$0x2], $0x80, $0x38;
	[tilespmem:$0x8580] =	vst v63  }
0x16b: {  	s31 =	spop (v2sf);
	s4 =	sor.u32 s4, s5;
	s30 =	sor.u32 $0x400, s8  }
0x16c: {  	[hbm4b:s0+s2] =	stream.linear.scatter [tilespmem:s30], [sflag:$0x2], $0x80, $0x38;
	[tilespmem:$0x8580] =	vst v63  }
0x16d: {  	s5 =	sshll.u32 s31, $0x7;
	s9 =	sshll.u32 s31, $0x9;
	s1 =	sor.u32 $0x800, s8  }
0x16e: {  	[hbm4b:s10+s2] =	stream.linear.scatter [tilespmem:s1], [sflag:$0x2], $0x80, $0x38;
	[tilespmem:$0x8580] =	vst v63  }
0x16f: {  	s31 =	sadd.s32 $0x1490, s20;
	s5 =	sand.u32 $0x380, s5;
	s10 =	sor.u32 $0xC00, s8  }
0x170: {  	[hbm4b:s11+s2] =	stream.linear.scatter [tilespmem:s10], [sflag:$0x2], $0x80, $0x38;
	[tilespmem:$0x8580] =	vst v63  }
0x171: {  	s30 =	sor.u32 $0x400, s4;
	s1 =	sand.u32 $0xFFFFF000, s9;
	s9 =	spop (v2sf)  }
0x172: {  	[hbm4b:s29+s2] =	stream.linear.scatter [tilespmem:s4], [sflag:$0x2], $0x80, $0x38;
	[tilespmem:$0x8580] =	vst v63  }
0x173: {  	s1 =	sor.u32 s5, s1;
	s11 =	sshll.u32 s9, $0x9;
	s10 =	sor.u32 $0x800, s4  }
0x174: {  	[hbm4b:s31+s2] =	stream.linear.scatter [tilespmem:s30], [sflag:$0x2], $0x80, $0x38;
	[tilespmem:$0x8580] =	vst v63  }
0x175: {  	s9 =	sshll.u32 s9, $0x7;
	s5 =	sor.u32 $0x800, s1;
	s29 =	sadd.s32 $0x1510, s20  }
0x176: {  	(v2sf) =	vpush v0, $0x5;
	[hbm4b:s29+s2] =	stream.linear.scatter [tilespmem:s10], [sflag:$0x2], $0x80, $0x38;
	[tilespmem:$0x8580] =	vst v63  }
0x177: {  	s30 =	sor.u32 $0xC00, s4;
	s31 =	sadd.s32 $0x1590, s20;
	s4 =	sand.u32 $0xFFFFF000, s11  }
0x178: {  	[hbm4b:s31+s2] =	stream.linear.scatter [tilespmem:s30], [sflag:$0x2], $0x80, $0x38;
	[tilespmem:$0x8580] =	vst v63  }
0x179: {  	s10 =	sadd.s32 $0x1420, s20;
	s29 =	sor.u32 $0x400, s1;
	s31 =	spop (v2sf)  }
0x17a: {  	[hbm4b:s10+s2] =	stream.linear.scatter [tilespmem:s1], [sflag:$0x2], $0x80, $0x38;
	[tilespmem:$0x8580] =	vst v63  }
0x17b: {  	s30 =	sadd.s32 $0x14A0, s20;
	s11 =	sshll.u32 s31, $0x9;
	s10 =	sshll.u32 s31, $0x7  }
0x17c: {  	(v2sf) =	vpush v0, $0x6;
	[hbm4b:s30+s2] =	stream.linear.scatter [tilespmem:s29], [sflag:$0x2], $0x80, $0x38;
	[tilespmem:$0x8580] =	vst v63  }
0x17d: {  	s31 =	sand.u32 $0x380, s9;
	s11 =	sand.u32 $0xFFFFF000, s11;
	s29 =	sor.u32 $0xC00, s1  }
0x17e: {  	[hbm4b:s6+s2] =	stream.linear.scatter [tilespmem:s5], [sflag:$0x2], $0x80, $0x38;
	[tilespmem:$0x8580] =	vst v63  }
0x17f: {  	s30 =	sadd.s32 $0x15A0, s20;
	s1 =	sor.u32 s31, s4;
	s31 =	sand.u32 $0x380, s10  }
0x180: {  	[hbm4b:s30+s2] =	stream.linear.scatter [tilespmem:s29], [sflag:$0x2], $0x80, $0x38;
	[tilespmem:$0x8580] =	vst v63  }
0x181: {  	s8 =	sadd.s32 $0x14C0, s20;
	s9 =	sadd.s32 $0x1430, s20;
	s4 =	sor.u32 s31, s11  }
0x182: {  	[hbm4b:s9+s2] =	stream.linear.scatter [tilespmem:s1], [sflag:$0x2], $0x80, $0x38;
	[tilespmem:$0x8580] =	vst v63  }
0x183: {  	s10 =	sor.u32 $0xC00, s1;
	s29 =	sor.u32 $0x400, s1;
	s30 =	sadd.s32 $0x14B0, s20  }
0x184: {  	[hbm4b:s30+s2] =	stream.linear.scatter [tilespmem:s29], [sflag:$0x2], $0x80, $0x38;
	[tilespmem:$0x8580] =	vst v63  }
0x185: {  	s5 =	sor.u32 $0x800, s1;
	s9 =	sadd.s32 $0x1530, s20;
	s29 =	spop (v2sf)  }
0x186: {  	[hbm4b:s9+s2] =	stream.linear.scatter [tilespmem:s5], [sflag:$0x2], $0x80, $0x38;
	[tilespmem:$0x8580] =	vst v63  }
0x187: {  	s11 =	sadd.s32 $0x15B0, s20;
	s6 =	sor.u32 $0x400, s4;
	s31 =	sshll.u32 s29, $0x9  }
0x188: {  	(v2sf) =	vpush v0, $0x7;
	[hbm4b:s11+s2] =	stream.linear.scatter [tilespmem:s10], [sflag:$0x2], $0x80, $0x38;
	[tilespmem:$0x8580] =	vst v63  }
0x189: {  	s30 =	sadd.s32 $0x1440, s20;
	s5 =	sshll.u32 s29, $0x7;
	s1 =	sand.u32 $0xFFFFF000, s31  }
0x18a: {  	[hbm4b:s30+s2] =	stream.linear.scatter [tilespmem:s4], [sflag:$0x2], $0x80, $0x38;
	[tilespmem:$0x8580] =	vst v63  }
0x18b: {  	s9 =	sadd.s32 $0x1540, s20;
	s29 =	spop (v2sf);
	s5 =	sand.u32 $0x380, s5  }
0x18c: {  	[hbm4b:s8+s2] =	stream.linear.scatter [tilespmem:s6], [sflag:$0x2], $0x80, $0x38;
	[tilespmem:$0x8580] =	vst v63  }
0x18d: {  	s31 =	sshll.u32 s29, $0x9;
	s1 =	sor.u32 s5, s1;
	s8 =	sor.u32 $0x800, s4  }
0x18e: {  	(v2sf) =	vpush v0, $0x8;
	[hbm4b:s9+s2] =	stream.linear.scatter [tilespmem:s8], [sflag:$0x2], $0x80, $0x38;
	[tilespmem:$0x8580] =	vst v63  }
0x18f: {  	s10 =	sor.u32 $0xC00, s4;
	s11 =	sadd.s32 $0x15C0, s20;
	s5 =	sshll.u32 s29, $0x7  }
0x190: {  	[hbm4b:s11+s2] =	stream.linear.scatter [tilespmem:s10], [sflag:$0x2], $0x80, $0x38;
	[tilespmem:$0x8580] =	vst v63  }
0x191: {  	s5 =	sand.u32 $0x380, s5;
	s30 =	sadd.s32 $0x1450, s20;
	s4 =	sand.u32 $0xFFFFF000, s31  }
0x192: {  	[hbm4b:s30+s2] =	stream.linear.scatter [tilespmem:s1], [sflag:$0x2], $0x80, $0x38;
	[tilespmem:$0x8580] =	vst v63  }
0x193: {  	s29 =	sadd.s32 $0x1460, s20;
	s6 =	sor.u32 $0x400, s1;
	s4 =	sor.u32 s5, s4  }
0x194: {  	[hbm4b:s28+s2] =	stream.linear.scatter [tilespmem:s6], [sflag:$0x2], $0x80, $0x38;
	[tilespmem:$0x8580] =	vst v63  }
0x195: {  	s8 =	sor.u32 $0x800, s1;
	s9 =	sadd.s32 $0x1550, s20;
	s31 =	sor.u32 $0x400, s4  }
0x196: {  	(v2sf) =	vpush v0, $0x9;
	[hbm4b:s9+s2] =	stream.linear.scatter [tilespmem:s8], [sflag:$0x2], $0x80, $0x38;
	[tilespmem:$0x8580] =	vst v63  }
0x197: {  	s10 =	sor.u32 $0xC00, s1;
	s11 =	sadd.s32 $0x15D0, s20;
	s28 =	spop (v2sf)  }
0x198: {  	[hbm4b:s11+s2] =	stream.linear.scatter [tilespmem:s10], [sflag:$0x2], $0x80, $0x38;
	[tilespmem:$0x8580] =	vst v63  }
0x199: {  	s6 =	sor.u32 $0x800, s4;
	s30 =	sshll.u32 s28, $0x9;
	s5 =	sshll.u32 s28, $0x7  }
0x19a: {  	[hbm4b:s29+s2] =	stream.linear.scatter [tilespmem:s4], [sflag:$0x2], $0x80, $0x38;
	[tilespmem:$0x8580] =	vst v63  }
0x19b: {  	s1 =	sand.u32 $0xFFFFF000, s30;
	s5 =	sand.u32 $0x380, s5;
	s8 =	sadd.s32 $0x1560, s20  }
0x19c: {  	[hbm4b:s26+s2] =	stream.linear.scatter [tilespmem:s31], [sflag:$0x2], $0x80, $0x38;
	[tilespmem:$0x8580] =	vst v63  }
0x19d: {  	s9 =	sor.u32 $0xC00, s4;
	s1 =	sor.u32 s5, s1;
	s11 =	spop (v2sf)  }
0x19e: {  	[hbm4b:s8+s2] =	stream.linear.scatter [tilespmem:s6], [sflag:$0x2], $0x80, $0x38;
	[tilespmem:$0x8580] =	vst v63  }
0x19f: {  	s10 =	sadd.s32 $0x14F0, s20;
	s30 =	sor.u32 $0x800, s1;
	s28 =	sshll.u32 s11, $0x9  }
0x1a0: {  	(v2sf) =	vpush v0, $0xA;
	[hbm4b:s25+s2] =	stream.linear.scatter [tilespmem:s9], [sflag:$0x2], $0x80, $0x38;
	[tilespmem:$0x8580] =	vst v63  }
0x1a1: {  	s5 =	sshll.u32 s11, $0x7;
	s29 =	sor.u32 $0x400, s1;
	s26 =	sadd.s32 $0x1470, s20  }
0x1a2: {  	[hbm4b:s26+s2] =	stream.linear.scatter [tilespmem:s1], [sflag:$0x2], $0x80, $0x38;
	[tilespmem:$0x8580] =	vst v63  }
0x1a3: {  	s5 =	sand.u32 $0x380, s5;
	s31 =	sadd.s32 $0x1570, s20;
	s6 =	sand.u32 $0xFFFFF000, s28  }
0x1a4: {  	[hbm4b:s10+s2] =	stream.linear.scatter [tilespmem:s29], [sflag:$0x2], $0x80, $0x38;
	[tilespmem:$0x8580] =	vst v63  }
0x1a5: {  	s8 =	sor.u32 $0xC00, s1;
	s28 =	sadd.s32 $0x1700, s20;
	s9 =	spop (v2sf)  }
0x1a6: {  	(v2sf) =	vpush v0, $0xB;
	[hbm4b:s31+s2] =	stream.linear.scatter [tilespmem:s30], [sflag:$0x2], $0x80, $0x38;
	[tilespmem:$0x8580] =	vst v63  }
0x1a7: {  	s5 =	sor.u32 s5, s6;
	s25 =	sadd.s32 $0x1680, s20;
	s11 =	sshll.u32 s9, $0x9  }
0x1a8: {  	[hbm4b:s24+s2] =	stream.linear.scatter [tilespmem:s8], [sflag:$0x2], $0x80, $0x38;
	[tilespmem:$0x8580] =	vst v63  }
0x1a9: {  	s4 =	sshll.u32 s9, $0x7;
	s1 =	sadd.s32 $0x1690, s20;
	s10 =	sadd.s32 $0x1600, s20  }
0x1aa: {  	[hbm4b:s10+s2] =	stream.linear.scatter [tilespmem:s5], [sflag:$0x2], $0x80, $0x38;
	[tilespmem:$0x8580] =	vst v63  }
0x1ab: {  	s6 =	sand.u32 $0xFFFFF000, s11;
	s4 =	sand.u32 $0x380, s4;
	s24 =	sor.u32 $0x400, s5  }
0x1ac: {  	[hbm4b:s25+s2] =	stream.linear.scatter [tilespmem:s24], [sflag:$0x2], $0x80, $0x38;
	[tilespmem:$0x8580] =	vst v63  }
0x1ad: {  	s26 =	sor.u32 $0x800, s5;
	s11 =	sadd.s32 $0x1710, s20;
	s4 =	sor.u32 s4, s6  }
0x1ae: {  	[hbm4b:s28+s2] =	stream.linear.scatter [tilespmem:s26], [sflag:$0x2], $0x80, $0x38;
	[tilespmem:$0x8580] =	vst v63  }
0x1af: {  	s29 =	spop (v2sf);
	s30 =	sor.u32 $0xC00, s5;
	s31 =	sadd.s32 $0x1780, s20  }
0x1b0: {  	(v2sf) =	vpush v0, $0xC;
	[hbm4b:s31+s2] =	stream.linear.scatter [tilespmem:s30], [sflag:$0x2], $0x80, $0x38;
	[tilespmem:$0x8580] =	vst v63  }
0x1b1: {  	s6 =	sshll.u32 s29, $0x9;
	s9 =	sshll.u32 s29, $0x7;
	s5 =	sadd.s32 $0x1610, s20  }
0x1b2: {  	[hbm4b:s5+s2] =	stream.linear.scatter [tilespmem:s4], [sflag:$0x2], $0x80, $0x38;
	[tilespmem:$0x8580] =	vst v63  }
0x1b3: {  	s29 =	sadd.s32 $0x1620, s20;
	s8 =	sor.u32 $0x400, s4;
	s10 =	sor.u32 $0x800, s4  }
0x1b4: {  	[hbm4b:s1+s2] =	stream.linear.scatter [tilespmem:s8], [sflag:$0x2], $0x80, $0x38;
	[tilespmem:$0x8580] =	vst v63  }
0x1b5: {  	s24 =	spop (v2sf);
	s25 =	sor.u32 $0xC00, s4;
	s26 =	sadd.s32 $0x1790, s20  }
0x1b6: {  	[hbm4b:s11+s2] =	stream.linear.scatter [tilespmem:s10], [sflag:$0x2], $0x80, $0x38;
	[tilespmem:$0x8580] =	vst v63  }
0x1b7: {  	s28 =	sand.u32 $0x380, s9;
	s31 =	sshll.u32 s24, $0x9;
	s5 =	sand.u32 $0xFFFFF000, s6  }
0x1b8: {  	[hbm4b:s26+s2] =	stream.linear.scatter [tilespmem:s25], [sflag:$0x2], $0x80, $0x38;
	[tilespmem:$0x8580] =	vst v63  }
0x1b9: {  	s9 =	sadd.s32 $0x1720, s20;
	s4 =	sand.u32 $0xFFFFF000, s31;
	s30 =	sor.u32 s28, s5  }
0x1ba: {  	(v2sf) =	vpush v0, $0xD;
	[hbm4b:s29+s2] =	stream.linear.scatter [tilespmem:s30], [sflag:$0x2], $0x80, $0x38;
	[tilespmem:$0x8580] =	vst v63  }
0x1bb: {  	s6 =	sshll.u32 s24, $0x7;
	s24 =	sadd.s32 $0x16B0, s20;
	s5 =	sor.u32 $0x400, s30  }
0x1bc: {  	[hbm4b:s23+s2] =	stream.linear.scatter [tilespmem:s5], [sflag:$0x2], $0x80, $0x38;
	[tilespmem:$0x8580] =	vst v63  }
0x1bd: {  	s31 =	sadd.s32 $0x17B0, s20;
	s8 =	sor.u32 $0x800, s30;
	s10 =	sor.u32 $0xC00, s30  }
0x1be: {  	[hbm4b:s9+s2] =	stream.linear.scatter [tilespmem:s8], [sflag:$0x2], $0x80, $0x38;
	[tilespmem:$0x8580] =	vst v63  }
0x1bf: {  	s11 =	sadd.s32 $0x17A0, s20;
	s25 =	spop (v2sf);
	s5 =	sand.u32 $0x380, s6  }
0x1c0: {  	(v2sf) =	vpush v0, $0xE;
	[hbm4b:s11+s2] =	stream.linear.scatter [tilespmem:s10], [sflag:$0x2], $0x80, $0x38;
	[tilespmem:$0x8580] =	vst v63  }
0x1c1: {  	s28 =	sshll.u32 s25, $0x9;
	s23 =	sadd.s32 $0x1630, s20;
	s4 =	sor.u32 s5, s4  }
0x1c2: {  	[hbm4b:s23+s2] =	stream.linear.scatter [tilespmem:s4], [sflag:$0x2], $0x80, $0x38;
	[tilespmem:$0x8580] =	vst v63  }
0x1c3: {  	s30 =	sadd.s32 $0x1730, s20;
	s5 =	sshll.u32 s25, $0x7;
	s26 =	sor.u32 $0x400, s4  }
0x1c4: {  	[hbm4b:s24+s2] =	stream.linear.scatter [tilespmem:s26], [sflag:$0x2], $0x80, $0x38;
	[tilespmem:$0x8580] =	vst v63  }
0x1c5: {  	s6 =	sand.u32 $0xFFFFF000, s28;
	s29 =	sor.u32 $0x800, s4;
	s9 =	sand.u32 $0x380, s5  }
0x1c6: {  	[hbm4b:s30+s2] =	stream.linear.scatter [tilespmem:s29], [sflag:$0x2], $0x80, $0x38;
	[tilespmem:$0x8580] =	vst v63  }
0x1c7: {  	s1 =	sor.u32 s9, s6;
	s10 =	sadd.s32 $0x1640, s20;
	s4 =	sor.u32 $0xC00, s4  }
0x1c8: {  	[hbm4b:s31+s2] =	stream.linear.scatter [tilespmem:s4], [sflag:$0x2], $0x80, $0x38;
	[tilespmem:$0x8580] =	vst v63  }
0x1c9: {  	s11 =	spop (v2sf);
	s25 =	sor.u32 $0x800, s1;
	s28 =	sor.u32 $0xC00, s1  }
0x1ca: {  	(v2sf) =	vpush v0, $0xF;
	[hbm4b:s10+s2] =	stream.linear.scatter [tilespmem:s1], [sflag:$0x2], $0x80, $0x38;
	[tilespmem:$0x8580] =	vst v63  }
0x1cb: {  	s23 =	sor.u32 $0x400, s1;
	s24 =	sshll.u32 s11, $0x9;
	s26 =	sadd.s32 $0x1740, s20  }
0x1cc: {  	[hbm4b:s22+s2] =	stream.linear.scatter [tilespmem:s23], [sflag:$0x2], $0x80, $0x38;
	[tilespmem:$0x8580] =	vst v63  }
0x1cd: {  	s5 =	sand.u32 $0xFFFFF000, s24;
	s29 =	sadd.s32 $0x17C0, s20;
	s4 =	sshll.u32 s11, $0x7  }
0x1ce: {  	[hbm4b:s26+s2] =	stream.linear.scatter [tilespmem:s25], [sflag:$0x2], $0x80, $0x38;
	[tilespmem:$0x8580] =	vst v63  }
0x1cf: {  	s30 =	sadd.s32 $0x1650, s20;
	s6 =	spop (v2sf);
	s4 =	sand.u32 $0x380, s4  }
0x1d0: {  	[hbm4b:s29+s2] =	stream.linear.scatter [tilespmem:s28], [sflag:$0x2], $0x80, $0x38;
	[tilespmem:$0x8580] =	vst v63  }
0x1d1: {  	s9 =	sshll.u32 s6, $0x9;
	s11 =	sadd.s32 $0x1750, s20;
	s31 =	sor.u32 s4, s5  }
0x1d2: {  	[hbm4b:s30+s2] =	stream.linear.scatter [tilespmem:s31], [sflag:$0x2], $0x80, $0x38;
	[tilespmem:$0x8580] =	vst v63  }
0x1d3: {  	s4 =	sshll.u32 s6, $0x7;
	s5 =	sand.u32 $0xFFFFF000, s9;
	s8 =	sor.u32 $0x400, s31  }
0x1d4: {  	[hbm4b:s21+s2] =	stream.linear.scatter [tilespmem:s8], [sflag:$0x2], $0x80, $0x38;
	[tilespmem:$0x8580] =	vst v63  }
0x1d5: {  	s10 =	sor.u32 $0x800, s31;
	s4 =	sand.u32 $0x380, s4;
	s22 =	sadd.s32 $0x17D0, s20  }
0x1d6: {  	[hbm4b:s11+s2] =	stream.linear.scatter [tilespmem:s10], [sflag:$0x2], $0x80, $0x38;
	[tilespmem:$0x8580] =	vst v63  }
0x1d7: {  	s23 =	sadd.s32 $0x1660, s20;
	s24 =	sor.u32 s4, s5;
	s21 =	sor.u32 $0xC00, s31  }
0x1d8: {  	[hbm4b:s22+s2] =	stream.linear.scatter [tilespmem:s21], [sflag:$0x2], $0x80, $0x38;
	[tilespmem:$0x8580] =	vst v63  }
0x1d9: {  	s5 =	sor.u32 $0x400, s24;
	s25 =	sadd.s32 $0x16E0, s20;
	s26 =	spop (v2sf)  }
0x1da: {  	[hbm4b:s23+s2] =	stream.linear.scatter [tilespmem:s24], [sflag:$0x2], $0x80, $0x38;
	[tilespmem:$0x8580] =	vst v63  }
0x1db: {  	s28 =	sshll.u32 s26, $0x9;
	s29 =	sor.u32 $0x800, s24;
	s4 =	sshll.u32 s26, $0x7  }
0x1dc: {  	[hbm4b:s25+s2] =	stream.linear.scatter [tilespmem:s5], [sflag:$0x2], $0x80, $0x38;
	[tilespmem:$0x8580] =	vst v63  }
0x1dd: {  	s0 =	sand.u32 $0xFFFFF000, s28;
	s4 =	sand.u32 $0x380, s4;
	s30 =	sadd.s32 $0x1760, s20  }
0x1de: {  	[hbm4b:s30+s2] =	stream.linear.scatter [tilespmem:s29], [sflag:$0x2], $0x80, $0x38;
	[tilespmem:$0x8580] =	vst v63  }
0x1df: {  	s1 =	sor.u32 $0xC00, s24;
	s0 =	sor.u32 s4, s0;
	s31 =	sadd.s32 $0x17E0, s20  }
0x1e0: {  	[hbm4b:s31+s2] =	stream.linear.scatter [tilespmem:s1], [sflag:$0x2], $0x80, $0x38;
	[tilespmem:$0x8580] =	vst v63  }
0x1e1: {  	s21 =	simm.s32 $0x400;
	s22 =	sadd.s32 $0x10, s18;
	s1 =	sadd.s32 $0x1670, s20  }
.LBB2_10:
0x1e2: {  	[hbm4b:s1+s2] =	stream.linear.scatter [tilespmem:s0], [sflag:$0x2], $0x80, $0x38;
	[tilespmem:$0x8580] =	vst v63  }
0x1e3: {  	s1 =	smov.u32 s21  }
0x1e4: {  	p0 =	sne.s32 s21, $0x1000;
	s4 =	sor.u32 $0x400, s0;
	s5 =	sadd.s32 $0x16F0, s20  }
0x1e5: {  	[hbm4b:s5+s2] =	stream.linear.scatter [tilespmem:s4], [sflag:$0x2], $0x80, $0x38;
	[tilespmem:$0x8580] =	vst v63  }
0x1e6: {  	s21 =	sadd.s32 $0x400, s21;
	s4 =	sor.u32 $0x800, s0;
	s5 =	sadd.s32 $0x1770, s20  }
0x1e7: {  	[hbm4b:s5+s2] =	stream.linear.scatter [tilespmem:s4], [sflag:$0x2], $0x80, $0x38;
	[tilespmem:$0x8580] =	vst v63  }
0x1e8: {  	s0 =	sor.u32 $0xC00, s0;
	s4 =	sadd.s32 $0x17F0, s20  }
0x1e9: {  	[hbm4b:s4+s2] =	stream.linear.scatter [tilespmem:s0], [sflag:$0x2], $0x80, $0x38;
	[tilespmem:$0x8580] =	vst v63  }
0x1ea: {  	v0 =	vld [tilespmem:s22+$0x0];
	_ =	sdelay $0x4  }
0x1eb: {  	(v2sf) =	vpush v0, $0x1  }
0x1ec: {  	(v2sf) =	vpush v0, $0x0;
	_ =	sdelay $0x4  }
0x1ed: {  	(v2sf) =	vpush v0, $0x2;
	_ =	sdelay $0x3  }
0x1ee: {  	s20 =	sadd.s32 s1, s19  }
0x1ef: {  	s1 =	sadd.s32 $0x1480, s20;
	s29 =	sadd.s32 $0x15E0, s20  }
0x1f0: {  	(v2sf) =	vpush v0, $0x3  }
0x1f1: {  	s28 =	sadd.s32 $0x15F0, s20;
	s24 =	sadd.s32 $0x16D0, s20;
	s23 =	sadd.s32 $0x16E0, s20  }
0x1f2: {  	s30 =	sadd.s32 $0x14E0, s20;
	s26 =	sadd.s32 $0x16A0, s20;
	s25 =	sadd.s32 $0x16C0, s20  }
0x1f3: {  	s31 =	sadd.s32 $0x14D0, s20;
	s4 =	sadd.s32 $0x1400, s20;
	s5 =	spop (v2sf)  }
0x1f4: {  	s0 =	sadd.s32 $0x1520, s20;
	s6 =	sshll.u32 s5, $0x9;
	s8 =	spop (v2sf)  }
0x1f5: {  	s5 =	sshll.u32 s5, $0x7;
	s9 =	sshll.u32 s8, $0x9;
	s8 =	sshll.u32 s8, $0x7  }
0x1f6: {  	s10 =	sadd.s32 $0x1500, s20;
	s9 =	sand.u32 $0xFFFFF000, s9;
	s8 =	sand.u32 $0x380, s8  }
0x1f7: {  	s6 =	sand.u32 $0xFFFFF000, s6;
	s5 =	sand.u32 $0x380, s5;
	s8 =	sor.u32 s8, s9  }
0x1f8: {  	[hbm4b:s4+s2] =	stream.linear.scatter [tilespmem:s8], [sflag:$0x2], $0x80, $0x38;
	[tilespmem:$0x8580] =	vst v63  }
0x1f9: {  	s5 =	sor.u32 s5, s6;
	s4 =	sor.u32 $0x400, s8;
	s6 =	spop (v2sf)  }
0x1fa: {  	[hbm4b:s1+s2] =	stream.linear.scatter [tilespmem:s4], [sflag:$0x2], $0x80, $0x38;
	(v2sf) =	vpush v0, $0x4;
	[tilespmem:$0x8580] =	vst v63  }
0x1fb: {  	s1 =	sor.u32 $0x800, s8;
	s4 =	sshll.u32 s6, $0x9;
	s6 =	sshll.u32 s6, $0x7  }
0x1fc: {  	[hbm4b:s10+s2] =	stream.linear.scatter [tilespmem:s1], [sflag:$0x2], $0x80, $0x38;
	[tilespmem:$0x8580] =	vst v63  }
0x1fd: {  	s4 =	sand.u32 $0xFFFFF000, s4;
	s1 =	sor.u32 $0xC00, s8;
	s8 =	sadd.s32 $0x1580, s20  }
0x1fe: {  	[hbm4b:s8+s2] =	stream.linear.scatter [tilespmem:s1], [sflag:$0x2], $0x80, $0x38;
	[tilespmem:$0x8580] =	vst v63  }
0x1ff: {  	s8 =	sadd.s32 $0x1410, s20;
	s1 =	sadd.s32 $0x14C0, s20;
	s9 =	spop (v2sf)  }
0x200: {  	[hbm4b:s8+s2] =	stream.linear.scatter [tilespmem:s5], [sflag:$0x2], $0x80, $0x38;
	[tilespmem:$0x8580] =	vst v63  }
0x201: {  	s10 =	sadd.s32 $0x1490, s20;
	s8 =	sor.u32 $0x400, s5;
	s11 =	sshll.u32 s9, $0x9  }
0x202: {  	[hbm4b:s10+s2] =	stream.linear.scatter [tilespmem:s8], [sflag:$0x2], $0x80, $0x38;
	[tilespmem:$0x8580] =	vst v63  }
0x203: {  	s9 =	sshll.u32 s9, $0x7;
	s8 =	sor.u32 $0x800, s5;
	s10 =	sadd.s32 $0x1510, s20  }
0x204: {  	[hbm4b:s10+s2] =	stream.linear.scatter [tilespmem:s8], [sflag:$0x2], $0x80, $0x38;
	[tilespmem:$0x8580] =	vst v63  }
0x205: {  	s6 =	sand.u32 $0x380, s6;
	s5 =	sor.u32 $0xC00, s5;
	s8 =	sadd.s32 $0x1590, s20  }
0x206: {  	[hbm4b:s8+s2] =	stream.linear.scatter [tilespmem:s5], [sflag:$0x2], $0x80, $0x38;
	(v2sf) =	vpush v0, $0x5;
	[tilespmem:$0x8580] =	vst v63  }
0x207: {  	s4 =	sor.u32 s6, s4;
	s6 =	sand.u32 $0xFFFFF000, s11;
	s5 =	sadd.s32 $0x1420, s20  }
0x208: {  	[hbm4b:s5+s2] =	stream.linear.scatter [tilespmem:s4], [sflag:$0x2], $0x80, $0x38;
	[tilespmem:$0x8580] =	vst v63  }
0x209: {  	s8 =	sadd.s32 $0x14A0, s20;
	s5 =	sor.u32 $0x400, s4;
	s10 =	spop (v2sf)  }
0x20a: {  	[hbm4b:s8+s2] =	stream.linear.scatter [tilespmem:s5], [sflag:$0x2], $0x80, $0x38;
	[tilespmem:$0x8580] =	vst v63  }
0x20b: {  	s5 =	sor.u32 $0x800, s4;
	s8 =	sshll.u32 s10, $0x9;
	s10 =	sshll.u32 s10, $0x7  }
0x20c: {  	[hbm4b:s0+s2] =	stream.linear.scatter [tilespmem:s5], [sflag:$0x2], $0x80, $0x38;
	[tilespmem:$0x8580] =	vst v63  }
0x20d: {  	s0 =	sor.u32 $0xC00, s4;
	s4 =	sadd.s32 $0x15A0, s20;
	s5 =	sand.u32 $0x380, s9  }
0x20e: {  	[hbm4b:s4+s2] =	stream.linear.scatter [tilespmem:s0], [sflag:$0x2], $0x80, $0x38;
	(v2sf) =	vpush v0, $0x6;
	[tilespmem:$0x8580] =	vst v63  }
0x20f: {  	s0 =	sadd.s32 $0x1430, s20;
	s4 =	sor.u32 s5, s6;
	s5 =	sand.u32 $0xFFFFF000, s8  }
0x210: {  	[hbm4b:s0+s2] =	stream.linear.scatter [tilespmem:s4], [sflag:$0x2], $0x80, $0x38;
	[tilespmem:$0x8580] =	vst v63  }
0x211: {  	s6 =	sadd.s32 $0x14B0, s20;
	s8 =	sand.u32 $0x380, s10;
	s0 =	sor.u32 $0x400, s4  }
0x212: {  	[hbm4b:s6+s2] =	stream.linear.scatter [tilespmem:s0], [sflag:$0x2], $0x80, $0x38;
	[tilespmem:$0x8580] =	vst v63  }
0x213: {  	s5 =	sor.u32 s8, s5;
	s0 =	sor.u32 $0x800, s4;
	s6 =	sadd.s32 $0x1530, s20  }
0x214: {  	[hbm4b:s6+s2] =	stream.linear.scatter [tilespmem:s0], [sflag:$0x2], $0x80, $0x38;
	[tilespmem:$0x8580] =	vst v63  }
0x215: {  	s0 =	sor.u32 $0xC00, s4;
	s4 =	sadd.s32 $0x15B0, s20;
	s6 =	spop (v2sf)  }
0x216: {  	[hbm4b:s4+s2] =	stream.linear.scatter [tilespmem:s0], [sflag:$0x2], $0x80, $0x38;
	(v2sf) =	vpush v0, $0x7;
	[tilespmem:$0x8580] =	vst v63  }
0x217: {  	s0 =	sadd.s32 $0x1440, s20;
	s4 =	sshll.u32 s6, $0x9;
	s6 =	sshll.u32 s6, $0x7  }
0x218: {  	[hbm4b:s0+s2] =	stream.linear.scatter [tilespmem:s5], [sflag:$0x2], $0x80, $0x38;
	[tilespmem:$0x8580] =	vst v63  }
0x219: {  	s4 =	sand.u32 $0xFFFFF000, s4;
	s6 =	sand.u32 $0x380, s6;
	s0 =	sor.u32 $0x400, s5  }
0x21a: {  	[hbm4b:s1+s2] =	stream.linear.scatter [tilespmem:s0], [sflag:$0x2], $0x80, $0x38;
	[tilespmem:$0x8580] =	vst v63  }
0x21b: {  	s4 =	sor.u32 s6, s4;
	s0 =	sor.u32 $0x800, s5;
	s1 =	sadd.s32 $0x1540, s20  }
0x21c: {  	[hbm4b:s1+s2] =	stream.linear.scatter [tilespmem:s0], [sflag:$0x2], $0x80, $0x38;
	[tilespmem:$0x8580] =	vst v63  }
0x21d: {  	s0 =	sor.u32 $0xC00, s5;
	s1 =	sadd.s32 $0x15C0, s20;
	s5 =	spop (v2sf)  }
0x21e: {  	[hbm4b:s1+s2] =	stream.linear.scatter [tilespmem:s0], [sflag:$0x2], $0x80, $0x38;
	(v2sf) =	vpush v0, $0x8;
	[tilespmem:$0x8580] =	vst v63  }
0x21f: {  	s0 =	sadd.s32 $0x1450, s20;
	s1 =	sshll.u32 s5, $0x9;
	s5 =	sshll.u32 s5, $0x7  }
0x220: {  	[hbm4b:s0+s2] =	stream.linear.scatter [tilespmem:s4], [sflag:$0x2], $0x80, $0x38;
	[tilespmem:$0x8580] =	vst v63  }
0x221: {  	s1 =	sand.u32 $0xFFFFF000, s1;
	s5 =	sand.u32 $0x380, s5;
	s0 =	sor.u32 $0x400, s4  }
0x222: {  	[hbm4b:s31+s2] =	stream.linear.scatter [tilespmem:s0], [sflag:$0x2], $0x80, $0x38;
	[tilespmem:$0x8580] =	vst v63  }
0x223: {  	s6 =	sadd.s32 $0x1550, s20;
	s1 =	sor.u32 s5, s1;
	s0 =	sor.u32 $0x800, s4  }
0x224: {  	[hbm4b:s6+s2] =	stream.linear.scatter [tilespmem:s0], [sflag:$0x2], $0x80, $0x38;
	[tilespmem:$0x8580] =	vst v63  }
0x225: {  	s0 =	sor.u32 $0xC00, s4;
	s4 =	sadd.s32 $0x15D0, s20;
	s5 =	spop (v2sf)  }
0x226: {  	[hbm4b:s4+s2] =	stream.linear.scatter [tilespmem:s0], [sflag:$0x2], $0x80, $0x38;
	(v2sf) =	vpush v0, $0x9;
	[tilespmem:$0x8580] =	vst v63  }
0x227: {  	s0 =	sadd.s32 $0x1460, s20;
	s4 =	sshll.u32 s5, $0x9;
	s5 =	sshll.u32 s5, $0x7  }
0x228: {  	[hbm4b:s0+s2] =	stream.linear.scatter [tilespmem:s1], [sflag:$0x2], $0x80, $0x38;
	[tilespmem:$0x8580] =	vst v63  }
0x229: {  	s4 =	sand.u32 $0xFFFFF000, s4;
	s5 =	sand.u32 $0x380, s5;
	s0 =	sor.u32 $0x400, s1  }
0x22a: {  	[hbm4b:s30+s2] =	stream.linear.scatter [tilespmem:s0], [sflag:$0x2], $0x80, $0x38;
	[tilespmem:$0x8580] =	vst v63  }
0x22b: {  	s6 =	sadd.s32 $0x1560, s20;
	s4 =	sor.u32 s5, s4;
	s0 =	sor.u32 $0x800, s1  }
0x22c: {  	[hbm4b:s6+s2] =	stream.linear.scatter [tilespmem:s0], [sflag:$0x2], $0x80, $0x38;
	(v2sf) =	vpush v0, $0xA;
	[tilespmem:$0x8580] =	vst v63  }
0x22d: {  	s0 =	sor.u32 $0xC00, s1;
	s1 =	sadd.s32 $0x14F0, s20;
	s5 =	spop (v2sf)  }
0x22e: {  	[hbm4b:s29+s2] =	stream.linear.scatter [tilespmem:s0], [sflag:$0x2], $0x80, $0x38;
	[tilespmem:$0x8580] =	vst v63  }
0x22f: {  	s0 =	sadd.s32 $0x1470, s20;
	s6 =	sshll.u32 s5, $0x9;
	s5 =	sshll.u32 s5, $0x7  }
0x230: {  	[hbm4b:s0+s2] =	stream.linear.scatter [tilespmem:s4], [sflag:$0x2], $0x80, $0x38;
	[tilespmem:$0x8580] =	vst v63  }
0x231: {  	s6 =	sand.u32 $0xFFFFF000, s6;
	s5 =	sand.u32 $0x380, s5;
	s0 =	sor.u32 $0x400, s4  }
0x232: {  	[hbm4b:s1+s2] =	stream.linear.scatter [tilespmem:s0], [sflag:$0x2], $0x80, $0x38;
	[tilespmem:$0x8580] =	vst v63  }
0x233: {  	s5 =	sor.u32 s5, s6;
	s0 =	sor.u32 $0x800, s4;
	s1 =	sadd.s32 $0x1570, s20  }
0x234: {  	[hbm4b:s1+s2] =	stream.linear.scatter [tilespmem:s0], [sflag:$0x2], $0x80, $0x38;
	(v2sf) =	vpush v0, $0xB;
	[tilespmem:$0x8580] =	vst v63  }
0x235: {  	s0 =	sor.u32 $0xC00, s4;
	s1 =	sadd.s32 $0x1690, s20;
	s4 =	spop (v2sf)  }
0x236: {  	[hbm4b:s28+s2] =	stream.linear.scatter [tilespmem:s0], [sflag:$0x2], $0x80, $0x38;
	[tilespmem:$0x8580] =	vst v63  }
0x237: {  	s0 =	sadd.s32 $0x1600, s20;
	s6 =	sshll.u32 s4, $0x9;
	s4 =	sshll.u32 s4, $0x7  }
0x238: {  	[hbm4b:s0+s2] =	stream.linear.scatter [tilespmem:s5], [sflag:$0x2], $0x80, $0x38;
	[tilespmem:$0x8580] =	vst v63  }
0x239: {  	s8 =	sadd.s32 $0x1680, s20;
	s6 =	sand.u32 $0xFFFFF000, s6;
	s0 =	sor.u32 $0x400, s5  }
0x23a: {  	[hbm4b:s8+s2] =	stream.linear.scatter [tilespmem:s0], [sflag:$0x2], $0x80, $0x38;
	[tilespmem:$0x8580] =	vst v63  }
0x23b: {  	s0 =	sor.u32 $0x800, s5;
	s8 =	sadd.s32 $0x1700, s20;
	s9 =	spop (v2sf)  }
0x23c: {  	[hbm4b:s8+s2] =	stream.linear.scatter [tilespmem:s0], [sflag:$0x2], $0x80, $0x38;
	[tilespmem:$0x8580] =	vst v63  }
0x23d: {  	s4 =	sand.u32 $0x380, s4;
	s0 =	sor.u32 $0xC00, s5;
	s5 =	sadd.s32 $0x1780, s20  }
0x23e: {  	[hbm4b:s5+s2] =	stream.linear.scatter [tilespmem:s0], [sflag:$0x2], $0x80, $0x38;
	[tilespmem:$0x8580] =	vst v63  }
0x23f: {  	s4 =	sor.u32 s4, s6;
	s0 =	sadd.s32 $0x1610, s20;
	s5 =	sshll.u32 s9, $0x9  }
0x240: {  	[hbm4b:s0+s2] =	stream.linear.scatter [tilespmem:s4], [sflag:$0x2], $0x80, $0x38;
	(v2sf) =	vpush v0, $0xC;
	[tilespmem:$0x8580] =	vst v63  }
0x241: {  	s6 =	sshll.u32 s9, $0x7;
	s5 =	sand.u32 $0xFFFFF000, s5;
	s0 =	sor.u32 $0x400, s4  }
0x242: {  	[hbm4b:s1+s2] =	stream.linear.scatter [tilespmem:s0], [sflag:$0x2], $0x80, $0x38;
	[tilespmem:$0x8580] =	vst v63  }
0x243: {  	s0 =	sor.u32 $0x800, s4;
	s1 =	sadd.s32 $0x1710, s20;
	s8 =	spop (v2sf)  }
0x244: {  	[hbm4b:s1+s2] =	stream.linear.scatter [tilespmem:s0], [sflag:$0x2], $0x80, $0x38;
	[tilespmem:$0x8580] =	vst v63  }
0x245: {  	s0 =	sor.u32 $0xC00, s4;
	s1 =	sadd.s32 $0x1790, s20;
	s4 =	sand.u32 $0x380, s6  }
0x246: {  	[hbm4b:s1+s2] =	stream.linear.scatter [tilespmem:s0], [sflag:$0x2], $0x80, $0x38;
	[tilespmem:$0x8580] =	vst v63  }
0x247: {  	s0 =	sadd.s32 $0x1620, s20;
	s1 =	sor.u32 s4, s5;
	s4 =	sshll.u32 s8, $0x9  }
0x248: {  	[hbm4b:s0+s2] =	stream.linear.scatter [tilespmem:s1], [sflag:$0x2], $0x80, $0x38;
	(v2sf) =	vpush v0, $0xD;
	[tilespmem:$0x8580] =	vst v63  }
0x249: {  	s5 =	sshll.u32 s8, $0x7;
	s4 =	sand.u32 $0xFFFFF000, s4;
	s0 =	sor.u32 $0x400, s1  }
0x24a: {  	[hbm4b:s26+s2] =	stream.linear.scatter [tilespmem:s0], [sflag:$0x2], $0x80, $0x38;
	[tilespmem:$0x8580] =	vst v63  }
0x24b: {  	s6 =	sadd.s32 $0x1720, s20;
	s5 =	sand.u32 $0x380, s5;
	s0 =	sor.u32 $0x800, s1  }
0x24c: {  	[hbm4b:s6+s2] =	stream.linear.scatter [tilespmem:s0], [sflag:$0x2], $0x80, $0x38;
	[tilespmem:$0x8580] =	vst v63  }
0x24d: {  	s4 =	sor.u32 s5, s4;
	s0 =	sor.u32 $0xC00, s1;
	s1 =	sadd.s32 $0x17A0, s20  }
0x24e: {  	[hbm4b:s1+s2] =	stream.linear.scatter [tilespmem:s0], [sflag:$0x2], $0x80, $0x38;
	[tilespmem:$0x8580] =	vst v63  }
0x24f: {  	s0 =	sadd.s32 $0x1630, s20;
	s1 =	sadd.s32 $0x16B0, s20;
	s5 =	spop (v2sf)  }
0x250: {  	[hbm4b:s0+s2] =	stream.linear.scatter [tilespmem:s4], [sflag:$0x2], $0x80, $0x38;
	(v2sf) =	vpush v0, $0xE;
	[tilespmem:$0x8580] =	vst v63  }
0x251: {  	s0 =	sor.u32 $0x400, s4;
	s6 =	sshll.u32 s5, $0x9;
	s5 =	sshll.u32 s5, $0x7  }
0x252: {  	[hbm4b:s1+s2] =	stream.linear.scatter [tilespmem:s0], [sflag:$0x2], $0x80, $0x38;
	[tilespmem:$0x8580] =	vst v63  }
0x253: {  	s8 =	sadd.s32 $0x17B0, s20;
	s0 =	sor.u32 $0x800, s4;
	s1 =	sadd.s32 $0x1730, s20  }
0x254: {  	[hbm4b:s1+s2] =	stream.linear.scatter [tilespmem:s0], [sflag:$0x2], $0x80, $0x38;
	[tilespmem:$0x8580] =	vst v63  }
0x255: {  	s0 =	sor.u32 $0xC00, s4  }
0x256: {  	s1 =	sand.u32 $0xFFFFF000, s6;
	s4 =	sand.u32 $0x380, s5;
	s6 =	sadd.s32 $0x1740, s20  }
0x257: {  	[hbm4b:s8+s2] =	stream.linear.scatter [tilespmem:s0], [sflag:$0x2], $0x80, $0x38;
	[tilespmem:$0x8580] =	vst v63  }
0x258: {  	s1 =	sor.u32 s4, s1;
	s0 =	sadd.s32 $0x1640, s20;
	s4 =	spop (v2sf)  }
0x259: {  	[hbm4b:s0+s2] =	stream.linear.scatter [tilespmem:s1], [sflag:$0x2], $0x80, $0x38;
	(v2sf) =	vpush v0, $0xF;
	[tilespmem:$0x8580] =	vst v63  }
0x25a: {  	s0 =	sor.u32 $0x400, s1;
	s5 =	sshll.u32 s4, $0x9;
	s4 =	sshll.u32 s4, $0x7  }
0x25b: {  	[hbm4b:s25+s2] =	stream.linear.scatter [tilespmem:s0], [sflag:$0x2], $0x80, $0x38;
	[tilespmem:$0x8580] =	vst v63  }
0x25c: {  	s5 =	sand.u32 $0xFFFFF000, s5;
	s4 =	sand.u32 $0x380, s4;
	s0 =	sor.u32 $0x800, s1  }
0x25d: {  	[hbm4b:s6+s2] =	stream.linear.scatter [tilespmem:s0], [sflag:$0x2], $0x80, $0x38;
	[tilespmem:$0x8580] =	vst v63  }
0x25e: {  	s0 =	sor.u32 $0xC00, s1;
	s1 =	sadd.s32 $0x17C0, s20;
	s6 =	sadd.s32 $0x1750, s20  }
0x25f: {  	[hbm4b:s1+s2] =	stream.linear.scatter [tilespmem:s0], [sflag:$0x2], $0x80, $0x38;
	[tilespmem:$0x8580] =	vst v63  }
0x260: {  	s0 =	sadd.s32 $0x1650, s20;
	s1 =	sor.u32 s4, s5;
	s4 =	spop (v2sf)  }
0x261: {  	[hbm4b:s0+s2] =	stream.linear.scatter [tilespmem:s1], [sflag:$0x2], $0x80, $0x38;
	[tilespmem:$0x8580] =	vst v63  }
0x262: {  	s0 =	sor.u32 $0x400, s1;
	s5 =	sshll.u32 s4, $0x9;
	s4 =	sshll.u32 s4, $0x7  }
0x263: {  	[hbm4b:s24+s2] =	stream.linear.scatter [tilespmem:s0], [sflag:$0x2], $0x80, $0x38;
	[tilespmem:$0x8580] =	vst v63  }
0x264: {  	s5 =	sand.u32 $0xFFFFF000, s5;
	s4 =	sand.u32 $0x380, s4;
	s0 =	sor.u32 $0x800, s1  }
0x265: {  	[hbm4b:s6+s2] =	stream.linear.scatter [tilespmem:s0], [sflag:$0x2], $0x80, $0x38;
	[tilespmem:$0x8580] =	vst v63  }
0x266: {  	s0 =	sor.u32 $0xC00, s1;
	s1 =	sadd.s32 $0x17D0, s20;
	s6 =	sadd.s32 $0x1760, s20  }
0x267: {  	[hbm4b:s1+s2] =	stream.linear.scatter [tilespmem:s0], [sflag:$0x2], $0x80, $0x38;
	[tilespmem:$0x8580] =	vst v63  }
0x268: {  	s0 =	sadd.s32 $0x1660, s20;
	s1 =	sor.u32 s4, s5;
	s4 =	spop (v2sf)  }
0x269: {  	[hbm4b:s0+s2] =	stream.linear.scatter [tilespmem:s1], [sflag:$0x2], $0x80, $0x38;
	[tilespmem:$0x8580] =	vst v63  }
0x26a: {  	s0 =	sor.u32 $0x400, s1;
	s5 =	sshll.u32 s4, $0x9;
	s4 =	sshll.u32 s4, $0x7  }
0x26b: {  	[hbm4b:s23+s2] =	stream.linear.scatter [tilespmem:s0], [sflag:$0x2], $0x80, $0x38;
	[tilespmem:$0x8580] =	vst v63  }
.Ltmp8:
0x26c: {  	s5 =	sand.u32 $0xFFFFF000, s5;
	s0 =	sor.u32 $0x800, s1;
	(pc) =	sbr.rel @p0 .LBB2_10-.Ltmp8, $4  }
0x26d: {  	[hbm4b:s6+s2] =	stream.linear.scatter [tilespmem:s0], [sflag:$0x2], $0x80, $0x38;
	[tilespmem:$0x8580] =	vst v63  }
0x26e: {  	s4 =	sand.u32 $0x380, s4;
	s0 =	sor.u32 $0xC00, s1;
	s1 =	sadd.s32 $0x17E0, s20  }
0x26f: {  	[hbm4b:s1+s2] =	stream.linear.scatter [tilespmem:s0], [sflag:$0x2], $0x80, $0x38;
	[tilespmem:$0x8580] =	vst v63  }
0x270: {  	s22 =	sadd.s32 $0x10, s22;
	s1 =	sadd.s32 $0x1670, s20;
	s0 =	sor.u32 s4, s5  }
0x271: {  	[hbm4b:s1+s2] =	stream.linear.scatter [tilespmem:s0], [sflag:$0x2], $0x80, $0x38;
	[tilespmem:$0x8580] =	vst v63  }
0x272: {  	s26 =	sor.u32 $0x400, s0;
	s4 =	sadd.s32 $0x16F0, s20  }
0x273: {  	[hbm4b:s4+s2] =	stream.linear.scatter [tilespmem:s26], [sflag:$0x2], $0x80, $0x38;
	[tilespmem:$0x8580] =	vst v63  }
.Ltmp9:
0x274: {  	_ = 	snop;
	(pc) =	sbr.rel .LBB2_12-.Ltmp9, $4  }
0x275: {  	s28 =	sor.u32 $0x800, s0;
	s29 =	sadd.s32 $0x1770, s20  }
0x276: {  	[hbm4b:s29+s2] =	stream.linear.scatter [tilespmem:s28], [sflag:$0x2], $0x80, $0x38;
	[tilespmem:$0x8580] =	vst v63  }
0x277: {  	s30 =	sor.u32 $0xC00, s0;
	s31 =	sadd.s32 $0x17F0, s20  }
0x278: {  	[hbm4b:s31+s2] =	stream.linear.scatter [tilespmem:s30], [sflag:$0x2], $0x80, $0x38;
	[tilespmem:$0x8580] =	vst v63  }
.LBB2_14:
0x279: {  	_ =	sfence.sel $0x180000  }
0x27a: {  	[bflag:$0x0] =	sbarrier.arrive $0xFFFF  }
0x27b: {  	_ =	strace $0x90000047  }
0x27c: {  	s0 =	stileid.u32;
	[bflag:$0x2] =	sbarrier.arrive $0xFFFF  }
0x27d: {  	p0 =	sne.s32 s0, $0x0;
	s0 =	rddreg [dreg:$0x2]  }
0x27e: {  	s0 =	sadd.s32 @!p0 $0x100000, s0  }
0x27f: {  	[sflag:s0] =	ssyncadd.tile.s32 @!p0 $0x1;
	_ =	shalt  }
.Lfunc_end2:
_tile_overlayer_lowered:
.L_overlay_start_2:
0x280: {  	(tag) =	ssettag $0x2  }
0x281: {  	s0 =	rddreg [dreg:$0x0];
	s2 =	stileid.u32  }
0x282: {  	s1 =	rddreg [dreg:$0x1];
	p0 =	sne.s32 s2, $0x0  }
0x283: {  	s3 =	rddreg [dreg:$0x2];
	[bflag:$0x3] =	sbarrier.arrive $0xFFFF;
	s2 =	simm.s32 @!p0 $0x1C04  }
0x284: {  	[timem:s3], [sflag:s2] =	dma.local @!p0 [hbm:s0], s1  }
0x285: {  	s0 =	simm.s32 @!p0 $0x4  }
0x286: {  	_ =	swait.ge @!p0 [sflag:s0], s1  }
0x287: {  	s1 =	ssub.s32 @!p0 $0x0, s1;
	[sflag:s0] =	ssyncset.done @!p0 $0x0  }
0x288: {  	[sflag:s0] =	ssyncadd.s32 @!p0 s1  }
0x289: {  	[bflag:$0x3] =	sbarrier.arrive $0xFFFF  }
0x28a: {  	_ =	shalt  }

</sc_bundles>
